<compile_context>
chip_gen: v7x
topology: tpu7x:2x2x1
jax: 0.10.2.dev20260603
libtpu: 0.0.44.dev20260713+nightly
codegen_flags: <defaults>
</compile_context>

<pallas_src>
import functools

import jax
import jax.numpy as jnp
from jax import lax
from jax.experimental import pallas as pl
from jax.experimental.pallas import tpu as pltpu
from jax.experimental.pallas import tpu_sc as plsc

N = 16384
C = 128
K = 48
FF = 256
H = 8
DH = C // H

SC_CORES = 2
SC_SUBCORES = 16
NW = SC_CORES * SC_SUBCORES
GCH = 128


def _pre_body(x_ref, idx_ref, ki_ref, wk3_ref, bk3_ref, wq3_ref, bq3_ref,
              wk_ref, bk_ref, wv_ref, bv_ref, wq_ref, bq_ref,
              kv_ref, q_ref, sidx_ref):
    idxf = idx_ref[...].astype(jnp.float32)
    cx = (idxf[:, 3:4] + 0.5) * 0.05
    cy = (idxf[:, 2:3] + 0.5) * 0.05 - 40.0
    cz = (idxf[:, 1:2] + 0.5) * 0.1 - 3.0
    cb = jnp.concatenate([cx, cy, cz], axis=1)
    x = x_ref[...]
    pos_k = jnp.maximum(
        jnp.dot(cb, wk3_ref[...], preferred_element_type=jnp.float32)
        + bk3_ref[...], 0.0)
    pos_q = jnp.maximum(
        jnp.dot(cb, wq3_ref[...], preferred_element_type=jnp.float32)
        + bq3_ref[...], 0.0)
    keysrc = x + pos_k
    kv_ref[:, :C] = jnp.dot(keysrc, wk_ref[...],
                            preferred_element_type=jnp.float32) + bk_ref[...]
    kv_ref[:, C:] = jnp.dot(keysrc, wv_ref[...],
                            preferred_element_type=jnp.float32) + bv_ref[...]
    q_ref[...] = (jnp.dot(x + pos_q, wq_ref[...],
                          preferred_element_type=jnp.float32)
                  + bq_ref[...]) * (1.0 / (DH ** 0.5))
    sidx_ref[...] = jnp.maximum(ki_ref[...], 0)


def _sc_gather_body(kv_hbm, sidx_hbm, out_hbm, idx_v,
                    rows0, rows1, rows2, sg0, sg1, sg2, sw0, sw1, sw2):
    wid = lax.axis_index("s") * SC_CORES + lax.axis_index("c")
    per_w = (N * K) // NW
    base = wid * per_w
    nch = per_w // GCH
    rows = (rows0, rows1, rows2)
    sg = (sg0, sg1, sg2)
    sw = (sw0, sw1, sw2)

    pltpu.sync_copy(sidx_hbm.at[pl.ds(base, per_w)], idx_v)

    def fire_gather(i, b):
        pltpu.async_copy(kv_hbm.at[idx_v.at[pl.ds(i * GCH, GCH)]],
                         rows[b], sg[b])

    def wait_gather(i, b):
        pltpu.make_async_copy(kv_hbm.at[idx_v.at[pl.ds(i * GCH, GCH)]],
                              rows[b], sg[b]).wait()

    def fire_wb(i, b):
        pltpu.async_copy(rows[b], out_hbm.at[pl.ds(base + i * GCH, GCH)],
                         sw[b])

    def wait_wb(i, b):
        pltpu.make_async_copy(rows[b],
                              out_hbm.at[pl.ds(base + i * GCH, GCH)],
                              sw[b]).wait()

    for b in range(3):
        fire_gather(b, b)

    def body(t, carry):
        i0 = 3 * t
        for b in range(3):
            wait_gather(i0 + b, b)
            fire_wb(i0 + b, b)
        for b in range(3):
            wait_wb(i0 + b, b)
            fire_gather(i0 + 3 + b, b)
        return carry

    lax.fori_loop(0, nch // 3 - 1, body, 0)
    i0 = nch - 3
    for b in range(3):
        wait_gather(i0 + b, b)
        fire_wb(i0 + b, b)
    for b in range(3):
        wait_wb(i0 + b, b)


@functools.cache
def _make_sc_gather():
    return pl.kernel(
        _sc_gather_body,
        out_type=jax.ShapeDtypeStruct((N * K, 2 * C), jnp.float32),
        mesh=plsc.VectorSubcoreMesh(core_axis_name="c", subcore_axis_name="s",
                                    num_cores=SC_CORES,
                                    num_subcores=SC_SUBCORES),
        scratch_types=[
            pltpu.VMEM(((N * K) // NW,), jnp.int32),
            pltpu.VMEM((GCH, 2 * C), jnp.float32),
            pltpu.VMEM((GCH, 2 * C), jnp.float32),
            pltpu.VMEM((GCH, 2 * C), jnp.float32),
            pltpu.SemaphoreType.DMA,
            pltpu.SemaphoreType.DMA,
            pltpu.SemaphoreType.DMA,
            pltpu.SemaphoreType.DMA,
            pltpu.SemaphoreType.DMA,
            pltpu.SemaphoreType.DMA,
        ],
    )


def _sc_gather(kv_tab, sidx):
    return _make_sc_gather()(kv_tab, sidx)


def _attn_body(kv_ref, q_ref, x_ref, ki_ref, srep_ref, wo_ref, bo_ref,
               s1_ref, st_ref):
    b = q_ref.shape[0]
    kv = kv_ref[...]
    q = q_ref[...]
    kk = kv[:, :, :C]
    vv = kv[:, :, C:]
    prod = kk * q[:, None, :]
    logits = jnp.dot(prod.reshape(b * K, C), srep_ref[...],
                     preferred_element_type=jnp.float32,
                     precision=lax.Precision.HIGHEST).reshape(b, K, C)
    pen = jnp.where(ki_ref[...] < 0, -1e9, 0.0)
    logits = logits + lax.broadcast_in_dim(pen, (b, K, C), (0, 1))
    m = jnp.max(logits, axis=1, keepdims=True)
    e = jnp.exp(logits - m)
    s = jnp.sum(e, axis=1, keepdims=True)
    attn_full = e / s
    ctx = jnp.sum(attn_full * vv, axis=1)
    attend = jnp.dot(ctx, wo_ref[...],
                     preferred_element_type=jnp.float32) + bo_ref[...]
    s1 = x_ref[...] + attend
    s1_ref[...] = s1
    blk = jnp.concatenate(
        [jnp.sum(s1, axis=0, keepdims=True),
         jnp.sum(s1 * s1, axis=0, keepdims=True),
         jnp.zeros((6, C), jnp.float32)], axis=0)

    @pl.when(pl.program_id(0) == 0)
    def _():
        st_ref[...] = jnp.zeros_like(st_ref)

    st_ref[...] += blk


def _ffn_body(s1_ref, st1_ref, g1_ref, b1_ref, w1_ref, bb1_ref,
              w2_ref, bb2_ref, s2_ref, st_ref):
    mean = st1_ref[0:1, :] * (1.0 / N)
    var = st1_ref[1:2, :] * (1.0 / N) - mean * mean
    vf = ((s1_ref[...] - mean) * lax.rsqrt(var + 1e-5) * g1_ref[...]
          + b1_ref[...])
    a = jnp.maximum(jnp.dot(vf, w1_ref[...],
                            preferred_element_type=jnp.float32)
                    + bb1_ref[...], 0.0)
    act = jnp.dot(a, w2_ref[...],
                  preferred_element_type=jnp.float32) + bb2_ref[...]
    s2 = vf + act
    s2_ref[...] = s2
    blk = jnp.concatenate(
        [jnp.sum(s2, axis=0, keepdims=True),
         jnp.sum(s2 * s2, axis=0, keepdims=True),
         jnp.zeros((6, C), jnp.float32)], axis=0)

    @pl.when(pl.program_id(0) == 0)
    def _():
        st_ref[...] = jnp.zeros_like(st_ref)

    st_ref[...] += blk


def _proj_body(s2_ref, st2_ref, g2_ref, b2_ref, wo_ref, bo_ref,
               p_ref, st_ref):
    mean = st2_ref[0:1, :] * (1.0 / N)
    var = st2_ref[1:2, :] * (1.0 / N) - mean * mean
    vf = ((s2_ref[...] - mean) * lax.rsqrt(var + 1e-5) * g2_ref[...]
          + b2_ref[...])
    p = jnp.dot(vf, wo_ref[...],
                preferred_element_type=jnp.float32) + bo_ref[...]
    p_ref[...] = p
    blk = jnp.concatenate(
        [jnp.sum(p, axis=0, keepdims=True),
         jnp.sum(p * p, axis=0, keepdims=True),
         jnp.zeros((6, C), jnp.float32)], axis=0)

    @pl.when(pl.program_id(0) == 0)
    def _():
        st_ref[...] = jnp.zeros_like(st_ref)

    st_ref[...] += blk


def _final_body(p_ref, st3_ref, g3_ref, b3_ref, out_ref):
    mean = st3_ref[0:1, :] * (1.0 / N)
    var = st3_ref[1:2, :] * (1.0 / N) - mean * mean
    out_ref[...] = jnp.maximum(
        (p_ref[...] - mean) * lax.rsqrt(var + 1e-5) * g3_ref[...]
        + b3_ref[...], 0.0)


def _row(v):
    return v.reshape(1, -1)


def kernel(x, indices, key_indices, in_proj_w, in_proj_b, out_proj_w,
           out_proj_b, q_pos_w, q_pos_b, k_pos_w, k_pos_b, norm1_g, norm1_b,
           norm2_g, norm2_b, lin1_w, lin1_b, lin2_w, lin2_b, out_w, out_b,
           bn_out_g, bn_out_b):
    f32 = jnp.float32
    wq = in_proj_w[:C].T
    wk = in_proj_w[C:2 * C].T
    wv = in_proj_w[2 * C:].T
    bq, bk, bv = in_proj_b[:C], in_proj_b[C:2 * C], in_proj_b[2 * C:]

    BP = 1024
    full = lambda shape: pl.BlockSpec(shape, lambda i: (0, 0))
    kv_tab, q_tab, sidx = pl.pallas_call(
        _pre_body,
        grid=(N // BP,),
        in_specs=[
            pl.BlockSpec((BP, C), lambda i: (i, 0)),
            pl.BlockSpec((BP, 4), lambda i: (i, 0)),
            pl.BlockSpec((BP, K), lambda i: (i, 0)),
            full((3, C)), full((1, C)), full((3, C)), full((1, C)),
            full((C, C)), full((1, C)), full((C, C)), full((1, C)),
            full((C, C)), full((1, C)),
        ],
        out_specs=[
            pl.BlockSpec((BP, 2 * C), lambda i: (i, 0)),
            pl.BlockSpec((BP, C), lambda i: (i, 0)),
            pl.BlockSpec((BP, K), lambda i: (i, 0)),
        ],
        out_shape=[
            jax.ShapeDtypeStruct((N, 2 * C), f32),
            jax.ShapeDtypeStruct((N, C), f32),
            jax.ShapeDtypeStruct((N, K), jnp.int32),
        ],
    )(x, indices, key_indices, k_pos_w.T, _row(k_pos_b), q_pos_w.T,
      _row(q_pos_b), wk, _row(bk), wv, _row(bv), wq, _row(bq))

    kv_gathered = _sc_gather(kv_tab, sidx.reshape(N * K))
    kv_gathered = kv_gathered.reshape(N, K, 2 * C)

    BA = 128
    lane = jnp.arange(C, dtype=jnp.int32)
    srep = (lane[:, None] // DH == lane[None, :] // DH).astype(f32)
    s1, st1 = pl.pallas_call(
        _attn_body,
        grid=(N // BA,),
        in_specs=[
            pl.BlockSpec((BA, K, 2 * C), lambda i: (i, 0, 0)),
            pl.BlockSpec((BA, C), lambda i: (i, 0)),
            pl.BlockSpec((BA, C), lambda i: (i, 0)),
            pl.BlockSpec((BA, K), lambda i: (i, 0)),
            full((C, C)), full((C, C)), full((1, C)),
        ],
        out_specs=[
            pl.BlockSpec((BA, C), lambda i: (i, 0)),
            pl.BlockSpec((8, C), lambda i: (0, 0)),
        ],
        out_shape=[
            jax.ShapeDtypeStruct((N, C), f32),
            jax.ShapeDtypeStruct((8, C), f32),
        ],
    )(kv_gathered, q_tab, x, key_indices, srep, out_proj_w.T,
      _row(out_proj_b))

    BF = 2048
    s2, st2 = pl.pallas_call(
        _ffn_body,
        grid=(N // BF,),
        in_specs=[
            pl.BlockSpec((BF, C), lambda i: (i, 0)),
            full((8, C)), full((1, C)), full((1, C)),
            full((C, FF)), full((1, FF)), full((FF, C)), full((1, C)),
        ],
        out_specs=[
            pl.BlockSpec((BF, C), lambda i: (i, 0)),
            pl.BlockSpec((8, C), lambda i: (0, 0)),
        ],
        out_shape=[
            jax.ShapeDtypeStruct((N, C), f32),
            jax.ShapeDtypeStruct((8, C), f32),
        ],
    )(s1, st1, _row(norm1_g), _row(norm1_b), lin1_w.T, _row(lin1_b),
      lin2_w.T, _row(lin2_b))

    p, st3 = pl.pallas_call(
        _proj_body,
        grid=(N // BF,),
        in_specs=[
            pl.BlockSpec((BF, C), lambda i: (i, 0)),
            full((8, C)), full((1, C)), full((1, C)),
            full((C, C)), full((1, C)),
        ],
        out_specs=[
            pl.BlockSpec((BF, C), lambda i: (i, 0)),
            pl.BlockSpec((8, C), lambda i: (0, 0)),
        ],
        out_shape=[
            jax.ShapeDtypeStruct((N, C), f32),
            jax.ShapeDtypeStruct((8, C), f32),
        ],
    )(s2, st2, _row(norm2_g), _row(norm2_b), out_w.T, _row(out_b))

    out = pl.pallas_call(
        _final_body,
        grid=(N // BF,),
        in_specs=[
            pl.BlockSpec((BF, C), lambda i: (i, 0)),
            full((8, C)), full((1, C)), full((1, C)),
        ],
        out_specs=pl.BlockSpec((BF, C), lambda i: (i, 0)),
        out_shape=jax.ShapeDtypeStruct((N, C), f32),
    )(p, st3, _row(bn_out_g), _row(bn_out_b))

    return out

# --- scband reference (transcript-rebuilt; emitter-appended) ---
"""Pipeline reference for scband-sub-mattention3dv2-2972117369408 (READ-ONLY COPY).

The authoritative reference and input builder live on the scoring server;
editing this copy changes nothing except your own understanding.
"""

import jax, jax.numpy as jnp
import numpy as np

N = 16384
C = 128
K = 48
FF = 256
H = 8
OUT = 128


def setup_inputs(seed: int = 0):
    key = jax.random.key(seed)
    ks = jax.random.split(key, 16)
    x = jax.random.normal(ks[0], (N, C), dtype=jnp.float32)
    bi = jnp.zeros((N, 1), dtype=jnp.int32)
    zi = jax.random.randint(ks[1], (N, 1), 0, 40, dtype=jnp.int32)
    yi = jax.random.randint(ks[2], (N, 1), 0, 1600, dtype=jnp.int32)
    xi = jax.random.randint(ks[3], (N, 1), 0, 1408, dtype=jnp.int32)
    indices = jnp.concatenate([bi, zi, yi, xi], axis=1)
    key_indices = jax.random.randint(ks[4], (N, K), -N // 8, N, dtype=jnp.int32)

    def lin(k, o, i):
        return jax.random.normal(k, (o, i), dtype=jnp.float32) * (1.0 / np.sqrt(i))

    params = dict(
        in_proj_w=lin(ks[5], 3 * C, C),
        in_proj_b=jnp.zeros((3 * C,), dtype=jnp.float32),
        out_proj_w=lin(ks[6], C, C),
        out_proj_b=jnp.zeros((C,), dtype=jnp.float32),
        q_pos_w=lin(ks[7], C, 3),
        q_pos_b=jnp.zeros((C,), dtype=jnp.float32),
        k_pos_w=lin(ks[8], C, 3),
        k_pos_b=jnp.zeros((C,), dtype=jnp.float32),
        norm1_g=jnp.ones((C,), dtype=jnp.float32),
        norm1_b=jnp.zeros((C,), dtype=jnp.float32),
        norm2_g=jnp.ones((C,), dtype=jnp.float32),
        norm2_b=jnp.zeros((C,), dtype=jnp.float32),
        lin1_w=lin(ks[9], FF, C),
        lin1_b=jnp.zeros((FF,), dtype=jnp.float32),
        lin2_w=lin(ks[10], C, FF),
        lin2_b=jnp.zeros((C,), dtype=jnp.float32),
        out_w=lin(ks[11], OUT, C),
        out_b=jnp.zeros((OUT,), dtype=jnp.float32),
        bn_out_g=jnp.ones((OUT,), dtype=jnp.float32),
        bn_out_b=jnp.zeros((OUT,), dtype=jnp.float32),
    )
    return dict(x=x, indices=indices, key_indices=key_indices, **params)


def _bn(t, g, b):
    m = t.mean(axis=0)
    v = t.var(axis=0)
    return (t - m) / jnp.sqrt(v + 1e-5) * g + b


def _forward(x, in_proj_w, in_proj_b, out_proj_w, out_proj_b, q_pos_w, q_pos_b, k_pos_w, k_pos_b,
             norm1_g, norm1_b, norm2_g, norm2_b, lin1_w, lin1_b, lin2_w, lin2_b,
             out_w, out_b, bn_out_g, bn_out_b, indices, key_indices):
    voxel_size = jnp.array([[0.05, 0.05, 0.1]], dtype=jnp.float32)
    min_range = jnp.array([[0.0, -40.0, -3.0]], dtype=jnp.float32)
    key_mask = key_indices < 0
    safe_idx = jnp.where(key_mask, 0, key_indices)
    # grouping_operation: gather neighbor voxel features -> (N, K, C)
    key_features = jnp.take(x, safe_idx, axis=0)
    # with_coords: indices[:, [3,2,1]] -> xyz real coords
    coords = (indices[:, jnp.array([3, 2, 1])].astype(jnp.float32) + 0.5) * voxel_size + min_range
    key_coords = jnp.take(coords, safe_idx, axis=0)  # (N, K, 3)
    # k_pos_proj: Conv1d(3 -> C, kernel 1) + ReLU
    key_pos = jax.nn.relu(jnp.einsum('nkc,oc->nko', key_coords, k_pos_w) + k_pos_b[None, None, :])
    keys = key_features + key_pos  # (N, K, C)
    # q_pos_proj: Linear(3 -> C) + ReLU
    q_pos = jax.nn.relu(coords @ q_pos_w.T + q_pos_b)
    query = x + q_pos  # (N, C)
    # nn.MultiheadAttention: query (1, N, C), key/value (K, N, C), key_padding_mask (N, K)
    wq, wk, wv = in_proj_w[:C], in_proj_w[C:2 * C], in_proj_w[2 * C:]
    bq, bk, bv = in_proj_b[:C], in_proj_b[C:2 * C], in_proj_b[2 * C:]
    q = (query @ wq.T + bq).reshape(N, H, C // H)
    k = (keys @ wk.T + bk).reshape(N, K, H, C // H)
    v = (keys @ wv.T + bv).reshape(N, K, H, C // H)
    logits = jnp.einsum('nhd,nkhd->nhk', q, k) / np.sqrt(C // H)
    logits = jnp.where(key_mask[:, None, :], -1e9, logits)
    attn = jax.nn.softmax(logits, axis=-1)
    ctx = jnp.einsum('nhk,nkhd->nhd', attn, v).reshape(N, C)
    attend = ctx @ out_proj_w.T + out_proj_b
    vf = _bn(x + attend, norm1_g, norm1_b)
    act = jax.nn.relu(vf @ lin1_w.T + lin1_b) @ lin2_w.T + lin2_b
    vf = _bn(vf + act, norm2_g, norm2_b)
    out = jax.nn.relu(_bn(vf @ out_w.T + out_b, bn_out_g, bn_out_b))
    return out


def reference(x, indices, key_indices, in_proj_w, in_proj_b, out_proj_w, out_proj_b,
              q_pos_w, q_pos_b, k_pos_w, k_pos_b, norm1_g, norm1_b, norm2_g, norm2_b,
              lin1_w, lin1_b, lin2_w, lin2_b, out_w, out_b, bn_out_g, bn_out_b):
    return _forward(x, in_proj_w, in_proj_b, out_proj_w, out_proj_b, q_pos_w, q_pos_b,
                    k_pos_w, k_pos_b, norm1_g, norm1_b, norm2_g, norm2_b,
                    lin1_w, lin1_b, lin2_w, lin2_b, out_w, out_b, bn_out_g, bn_out_b,
                    indices, key_indices)

if __name__ == "__main__":
    import jax
    _d = setup_inputs()
    print(jax.jit(kernel)(*tuple(_d.values())))

</pallas_src>

<mosaic_0001>
#map = affine_map<(d0, d1) -> (0, 0)>
#map1 = affine_map<(d0, d1) -> (0)>
module attributes {stable_mosaic.version = 14 : i64} {
  func.func @_sc_gather_body(%arg0: i32, %arg1: i32, %arg2: memref<16384x256xf32, #tpu.memory_space<hbm>>, %arg3: memref<786432xi32, #tpu.memory_space<hbm>>, %arg4: memref<786432x256xf32, #tpu.memory_space<hbm>>, %arg5: memref<24576xi32, #tpu.memory_space<vmem>>, %arg6: memref<128x256xf32, #tpu.memory_space<vmem>>, %arg7: memref<128x256xf32, #tpu.memory_space<vmem>>, %arg8: memref<128x256xf32, #tpu.memory_space<vmem>>, %arg9: memref<!tpu.dma_semaphore, #tpu.memory_space<semaphore_mem>>, %arg10: memref<!tpu.dma_semaphore, #tpu.memory_space<semaphore_mem>>, %arg11: memref<!tpu.dma_semaphore, #tpu.memory_space<semaphore_mem>>, %arg12: memref<!tpu.dma_semaphore, #tpu.memory_space<semaphore_mem>>, %arg13: memref<!tpu.dma_semaphore, #tpu.memory_space<semaphore_mem>>, %arg14: memref<!tpu.dma_semaphore, #tpu.memory_space<semaphore_mem>>) attributes {dimension_semantics = [#tpu.dimension_semantics<core_parallel>, #tpu.dimension_semantics<subcore_parallel>], iteration_bounds = array<i64: 2, 16>, scalar_prefetch = 0 : i64, scratch_operands = 10 : i64, tpu.core_type = #tpu.core_type<sc_vector_subcore>, window_params = [{transform_indices = #map}, {transform_indices = #map1}, {transform_indices = #map}]} {
    %mul3A = arith.constant 2 : i32
    %mul3A_0 = arith.muli %arg1, %mul3A : i32
    %add3A = arith.addi %mul3A_0, %arg0 : i32
    %mul3A_1 = arith.constant 24576 : i32
    %mul3A_2 = arith.muli %add3A, %mul3A_1 : i32
    "tpu.region"() ({
      %run_scoped3A = tpu.sem_alloc : memref<!tpu.dma_semaphore, #tpu.memory_space<semaphore_mem>>
      %dma_start3A_72 = tpu.memref_slice %arg3[%mul3A_2] : memref<786432xi32, #tpu.memory_space<hbm>> -> memref<24576xi32, #tpu.memory_space<hbm>>
      %dma_start3A_73 = tpu.memref_slice %arg3[%mul3A_2] : memref<786432xi32, #tpu.memory_space<hbm>> -> memref<24576xi32, #tpu.memory_space<hbm>>
      tpu.enqueue_dma source(%dma_start3A_73 : memref<24576xi32, #tpu.memory_space<hbm>>) target(%arg5 : memref<24576xi32, #tpu.memory_space<vmem>>) target_semaphore(%run_scoped3A : memref<!tpu.dma_semaphore, #tpu.memory_space<semaphore_mem>>)
      %dma_wait3A_74 = tpu.memref_slice %arg3[%mul3A_2] : memref<786432xi32, #tpu.memory_space<hbm>> -> memref<24576xi32, #tpu.memory_space<hbm>>
      %dma_wait3A_75 = tpu.memref_slice %arg3[%mul3A_2] : memref<786432xi32, #tpu.memory_space<hbm>> -> memref<24576xi32, #tpu.memory_space<hbm>>
      tpu.wait_dma2 semaphore(%run_scoped3A : memref<!tpu.dma_semaphore, #tpu.memory_space<semaphore_mem>>) src(%dma_wait3A_75 : memref<24576xi32, #tpu.memory_space<hbm>>) dst(%arg5 : memref<24576xi32, #tpu.memory_space<vmem>>)
      tpu.yield
    }) : () -> ()
    %dma_start3A = arith.constant 0 : i32
    %dma_start3A_3 = tpu.memref_slice %arg5[%dma_start3A] : memref<24576xi32, #tpu.memory_space<vmem>> -> memref<128xi32, #tpu.memory_space<vmem>>
    %dma_start3A_4 = arith.constant 0 : i32
    %dma_start3A_5 = arith.constant 0 : i32
    %dma_start3A_6 = tpu.memref_slice %arg2[%dma_start3A_4, %dma_start3A_5] : memref<16384x256xf32, #tpu.memory_space<hbm>> -> memref<16384x256xf32, #tpu.memory_space<hbm>>
    tpu.enqueue_indirect_dma source(%dma_start3A_6 : memref<16384x256xf32, #tpu.memory_space<hbm>>) target(%arg6 : memref<128x256xf32, #tpu.memory_space<vmem>>) offsets(%dma_start3A_3 : memref<128xi32, #tpu.memory_space<vmem>>) semaphore(%arg9 : memref<!tpu.dma_semaphore, #tpu.memory_space<semaphore_mem>>)
    %dma_start3A_7 = arith.constant 128 : i32
    %dma_start3A_8 = tpu.memref_slice %arg5[%dma_start3A_7] : memref<24576xi32, #tpu.memory_space<vmem>> -> memref<128xi32, #tpu.memory_space<vmem>>
    %dma_start3A_9 = arith.constant 0 : i32
    %dma_start3A_10 = arith.constant 0 : i32
    %dma_start3A_11 = tpu.memref_slice %arg2[%dma_start3A_9, %dma_start3A_10] : memref<16384x256xf32, #tpu.memory_space<hbm>> -> memref<16384x256xf32, #tpu.memory_space<hbm>>
    tpu.enqueue_indirect_dma source(%dma_start3A_11 : memref<16384x256xf32, #tpu.memory_space<hbm>>) target(%arg7 : memref<128x256xf32, #tpu.memory_space<vmem>>) offsets(%dma_start3A_8 : memref<128xi32, #tpu.memory_space<vmem>>) semaphore(%arg10 : memref<!tpu.dma_semaphore, #tpu.memory_space<semaphore_mem>>)
    %dma_start3A_12 = arith.constant 256 : i32
    %dma_start3A_13 = tpu.memref_slice %arg5[%dma_start3A_12] : memref<24576xi32, #tpu.memory_space<vmem>> -> memref<128xi32, #tpu.memory_space<vmem>>
    %dma_start3A_14 = arith.constant 0 : i32
    %dma_start3A_15 = arith.constant 0 : i32
    %dma_start3A_16 = tpu.memref_slice %arg2[%dma_start3A_14, %dma_start3A_15] : memref<16384x256xf32, #tpu.memory_space<hbm>> -> memref<16384x256xf32, #tpu.memory_space<hbm>>
    tpu.enqueue_indirect_dma source(%dma_start3A_16 : memref<16384x256xf32, #tpu.memory_space<hbm>>) target(%arg8 : memref<128x256xf32, #tpu.memory_space<vmem>>) offsets(%dma_start3A_13 : memref<128xi32, #tpu.memory_space<vmem>>) semaphore(%arg11 : memref<!tpu.dma_semaphore, #tpu.memory_space<semaphore_mem>>)
    %scan3A = arith.constant 0 : i32
    %scan3A_17 = arith.constant 0 : i32
    %scan3A_18 = arith.constant 63 : i32
    %scan3A_19 = arith.addi %scan3A_17, %scan3A_18 : i32
    %scan3A_20 = arith.constant 1 : i32
    scf.for %scan3A_72 = %scan3A_17 to %scan3A_19 step %scan3A_20  : i32 {
      %mul3A_73 = arith.constant 3 : i32
      %mul3A_74 = arith.muli %mul3A_73, %scan3A_72 : i32
      %add3A_75 = arith.constant 0 : i32
      %add3A_76 = arith.addi %mul3A_74, %add3A_75 : i32
      %mul3A_77 = arith.constant 128 : i32
      %mul3A_78 = arith.muli %add3A_76, %mul3A_77 : i32
      %dma_wait3A_79 = tpu.memref_slice %arg5[%mul3A_78] : memref<24576xi32, #tpu.memory_space<vmem>> -> memref<128xi32, #tpu.memory_space<vmem>>
      %dma_wait3A_80 = arith.constant 0 : i32
      %dma_wait3A_81 = arith.constant 0 : i32
      %dma_wait3A_82 = tpu.memref_slice %arg2[%dma_wait3A_80, %dma_wait3A_81] : memref<16384x256xf32, #tpu.memory_space<hbm>> -> memref<16384x256xf32, #tpu.memory_space<hbm>>
      tpu.wait_indirect_dma semaphore(%arg9 : memref<!tpu.dma_semaphore, #tpu.memory_space<semaphore_mem>>) src(%dma_wait3A_82 : memref<16384x256xf32, #tpu.memory_space<hbm>>) dst(%arg6 : memref<128x256xf32, #tpu.memory_space<vmem>>)
      %add3A_83 = arith.constant 0 : i32
      %add3A_84 = arith.addi %mul3A_74, %add3A_83 : i32
      %mul3A_85 = arith.constant 128 : i32
      %mul3A_86 = arith.muli %add3A_84, %mul3A_85 : i32
      %add3A_87 = arith.addi %mul3A_2, %mul3A_86 : i32
      %dma_start3A_88 = arith.constant 0 : i32
      %dma_start3A_89 = tpu.memref_slice %arg4[%add3A_87, %dma_start3A_88] : memref<786432x256xf32, #tpu.memory_space<hbm>> -> memref<128x256xf32, #tpu.memory_space<hbm>>
      %dma_start3A_90 = arith.constant 0 : i32
      %dma_start3A_91 = tpu.memref_slice %arg4[%add3A_87, %dma_start3A_90] : memref<786432x256xf32, #tpu.memory_space<hbm>> -> memref<128x256xf32, #tpu.memory_space<hbm>>
      tpu.enqueue_dma source(%arg6 : memref<128x256xf32, #tpu.memory_space<vmem>>) target(%dma_start3A_91 : memref<128x256xf32, #tpu.memory_space<hbm>>) target_semaphore(%arg12 : memref<!tpu.dma_semaphore, #tpu.memory_space<semaphore_mem>>)
      %add3A_92 = arith.constant 1 : i32
      %add3A_93 = arith.addi %mul3A_74, %add3A_92 : i32
      %mul3A_94 = arith.constant 128 : i32
      %mul3A_95 = arith.muli %add3A_93, %mul3A_94 : i32
      %dma_wait3A_96 = tpu.memref_slice %arg5[%mul3A_95] : memref<24576xi32, #tpu.memory_space<vmem>> -> memref<128xi32, #tpu.memory_space<vmem>>
      %dma_wait3A_97 = arith.constant 0 : i32
      %dma_wait3A_98 = arith.constant 0 : i32
      %dma_wait3A_99 = tpu.memref_slice %arg2[%dma_wait3A_97, %dma_wait3A_98] : memref<16384x256xf32, #tpu.memory_space<hbm>> -> memref<16384x256xf32, #tpu.memory_space<hbm>>
      tpu.wait_indirect_dma semaphore(%arg10 : memref<!tpu.dma_semaphore, #tpu.memory_space<semaphore_mem>>) src(%dma_wait3A_99 : memref<16384x256xf32, #tpu.memory_space<hbm>>) dst(%arg7 : memref<128x256xf32, #tpu.memory_space<vmem>>)
      %add3A_100 = arith.constant 1 : i32
      %add3A_101 = arith.addi %mul3A_74, %add3A_100 : i32
      %mul3A_102 = arith.constant 128 : i32
      %mul3A_103 = arith.muli %add3A_101, %mul3A_102 : i32
      %add3A_104 = arith.addi %mul3A_2, %mul3A_103 : i32
      %dma_start3A_105 = arith.constant 0 : i32
      %dma_start3A_106 = tpu.memref_slice %arg4[%add3A_104, %dma_start3A_105] : memref<786432x256xf32, #tpu.memory_space<hbm>> -> memref<128x256xf32, #tpu.memory_space<hbm>>
      %dma_start3A_107 = arith.constant 0 : i32
      %dma_start3A_108 = tpu.memref_slice %arg4[%add3A_104, %dma_start3A_107] : memref<786432x256xf32, #tpu.memory_space<hbm>> -> memref<128x256xf32, #tpu.memory_space<hbm>>
      tpu.enqueue_dma source(%arg7 : memref<128x256xf32, #tpu.memory_space<vmem>>) target(%dma_start3A_108 : memref<128x256xf32, #tpu.memory_space<hbm>>) target_semaphore(%arg13 : memref<!tpu.dma_semaphore, #tpu.memory_space<semaphore_mem>>)
      %add3A_109 = arith.constant 2 : i32
      %add3A_110 = arith.addi %mul3A_74, %add3A_109 : i32
      %mul3A_111 = arith.constant 128 : i32
      %mul3A_112 = arith.muli %add3A_110, %mul3A_111 : i32
      %dma_wait3A_113 = tpu.memref_slice %arg5[%mul3A_112] : memref<24576xi32, #tpu.memory_space<vmem>> -> memref<128xi32, #tpu.memory_space<vmem>>
      %dma_wait3A_114 = arith.constant 0 : i32
      %dma_wait3A_115 = arith.constant 0 : i32
      %dma_wait3A_116 = tpu.memref_slice %arg2[%dma_wait3A_114, %dma_wait3A_115] : memref<16384x256xf32, #tpu.memory_space<hbm>> -> memref<16384x256xf32, #tpu.memory_space<hbm>>
      tpu.wait_indirect_dma semaphore(%arg11 : memref<!tpu.dma_semaphore, #tpu.memory_space<semaphore_mem>>) src(%dma_wait3A_116 : memref<16384x256xf32, #tpu.memory_space<hbm>>) dst(%arg8 : memref<128x256xf32, #tpu.memory_space<vmem>>)
      %add3A_117 = arith.constant 2 : i32
      %add3A_118 = arith.addi %mul3A_74, %add3A_117 : i32
      %mul3A_119 = arith.constant 128 : i32
      %mul3A_120 = arith.muli %add3A_118, %mul3A_119 : i32
      %add3A_121 = arith.addi %mul3A_2, %mul3A_120 : i32
      %dma_start3A_122 = arith.constant 0 : i32
      %dma_start3A_123 = tpu.memref_slice %arg4[%add3A_121, %dma_start3A_122] : memref<786432x256xf32, #tpu.memory_space<hbm>> -> memref<128x256xf32, #tpu.memory_space<hbm>>
      %dma_start3A_124 = arith.constant 0 : i32
      %dma_start3A_125 = tpu.memref_slice %arg4[%add3A_121, %dma_start3A_124] : memref<786432x256xf32, #tpu.memory_space<hbm>> -> memref<128x256xf32, #tpu.memory_space<hbm>>
      tpu.enqueue_dma source(%arg8 : memref<128x256xf32, #tpu.memory_space<vmem>>) target(%dma_start3A_125 : memref<128x256xf32, #tpu.memory_space<hbm>>) target_semaphore(%arg14 : memref<!tpu.dma_semaphore, #tpu.memory_space<semaphore_mem>>)
      %add3A_126 = arith.constant 0 : i32
      %add3A_127 = arith.addi %mul3A_74, %add3A_126 : i32
      %mul3A_128 = arith.constant 128 : i32
      %mul3A_129 = arith.muli %add3A_127, %mul3A_128 : i32
      %add3A_130 = arith.addi %mul3A_2, %mul3A_129 : i32
      %dma_wait3A_131 = arith.constant 0 : i32
      %dma_wait3A_132 = tpu.memref_slice %arg4[%add3A_130, %dma_wait3A_131] : memref<786432x256xf32, #tpu.memory_space<hbm>> -> memref<128x256xf32, #tpu.memory_space<hbm>>
      %dma_wait3A_133 = arith.constant 0 : i32
      %dma_wait3A_134 = tpu.memref_slice %arg4[%add3A_130, %dma_wait3A_133] : memref<786432x256xf32, #tpu.memory_space<hbm>> -> memref<128x256xf32, #tpu.memory_space<hbm>>
      tpu.wait_dma2 semaphore(%arg12 : memref<!tpu.dma_semaphore, #tpu.memory_space<semaphore_mem>>) src(%arg6 : memref<128x256xf32, #tpu.memory_space<vmem>>) dst(%dma_wait3A_134 : memref<128x256xf32, #tpu.memory_space<hbm>>)
      %add3A_135 = arith.constant 3 : i32
      %add3A_136 = arith.addi %mul3A_74, %add3A_135 : i32
      %add3A_137 = arith.constant 0 : i32
      %add3A_138 = arith.addi %add3A_136, %add3A_137 : i32
      %mul3A_139 = arith.constant 128 : i32
      %mul3A_140 = arith.muli %add3A_138, %mul3A_139 : i32
      %dma_start3A_141 = tpu.memref_slice %arg5[%mul3A_140] : memref<24576xi32, #tpu.memory_space<vmem>> -> memref<128xi32, #tpu.memory_space<vmem>>
      %dma_start3A_142 = arith.constant 0 : i32
      %dma_start3A_143 = arith.constant 0 : i32
      %dma_start3A_144 = tpu.memref_slice %arg2[%dma_start3A_142, %dma_start3A_143] : memref<16384x256xf32, #tpu.memory_space<hbm>> -> memref<16384x256xf32, #tpu.memory_space<hbm>>
      tpu.enqueue_indirect_dma source(%dma_start3A_144 : memref<16384x256xf32, #tpu.memory_space<hbm>>) target(%arg6 : memref<128x256xf32, #tpu.memory_space<vmem>>) offsets(%dma_start3A_141 : memref<128xi32, #tpu.memory_space<vmem>>) semaphore(%arg9 : memref<!tpu.dma_semaphore, #tpu.memory_space<semaphore_mem>>)
      %add3A_145 = arith.constant 1 : i32
      %add3A_146 = arith.addi %mul3A_74, %add3A_145 : i32
      %mul3A_147 = arith.constant 128 : i32
      %mul3A_148 = arith.muli %add3A_146, %mul3A_147 : i32
      %add3A_149 = arith.addi %mul3A_2, %mul3A_148 : i32
      %dma_wait3A_150 = arith.constant 0 : i32
      %dma_wait3A_151 = tpu.memref_slice %arg4[%add3A_149, %dma_wait3A_150] : memref<786432x256xf32, #tpu.memory_space<hbm>> -> memref<128x256xf32, #tpu.memory_space<hbm>>
      %dma_wait3A_152 = arith.constant 0 : i32
      %dma_wait3A_153 = tpu.memref_slice %arg4[%add3A_149, %dma_wait3A_152] : memref<786432x256xf32, #tpu.memory_space<hbm>> -> memref<128x256xf32, #tpu.memory_space<hbm>>
      tpu.wait_dma2 semaphore(%arg13 : memref<!tpu.dma_semaphore, #tpu.memory_space<semaphore_mem>>) src(%arg7 : memref<128x256xf32, #tpu.memory_space<vmem>>) dst(%dma_wait3A_153 : memref<128x256xf32, #tpu.memory_space<hbm>>)
      %add3A_154 = arith.constant 3 : i32
      %add3A_155 = arith.addi %mul3A_74, %add3A_154 : i32
      %add3A_156 = arith.constant 1 : i32
      %add3A_157 = arith.addi %add3A_155, %add3A_156 : i32
      %mul3A_158 = arith.constant 128 : i32
      %mul3A_159 = arith.muli %add3A_157, %mul3A_158 : i32
      %dma_start3A_160 = tpu.memref_slice %arg5[%mul3A_159] : memref<24576xi32, #tpu.memory_space<vmem>> -> memref<128xi32, #tpu.memory_space<vmem>>
      %dma_start3A_161 = arith.constant 0 : i32
      %dma_start3A_162 = arith.constant 0 : i32
      %dma_start3A_163 = tpu.memref_slice %arg2[%dma_start3A_161, %dma_start3A_162] : memref<16384x256xf32, #tpu.memory_space<hbm>> -> memref<16384x256xf32, #tpu.memory_space<hbm>>
      tpu.enqueue_indirect_dma source(%dma_start3A_163 : memref<16384x256xf32, #tpu.memory_space<hbm>>) target(%arg7 : memref<128x256xf32, #tpu.memory_space<vmem>>) offsets(%dma_start3A_160 : memref<128xi32, #tpu.memory_space<vmem>>) semaphore(%arg10 : memref<!tpu.dma_semaphore, #tpu.memory_space<semaphore_mem>>)
      %add3A_164 = arith.constant 2 : i32
      %add3A_165 = arith.addi %mul3A_74, %add3A_164 : i32
      %mul3A_166 = arith.constant 128 : i32
      %mul3A_167 = arith.muli %add3A_165, %mul3A_166 : i32
      %add3A_168 = arith.addi %mul3A_2, %mul3A_167 : i32
      %dma_wait3A_169 = arith.constant 0 : i32
      %dma_wait3A_170 = tpu.memref_slice %arg4[%add3A_168, %dma_wait3A_169] : memref<786432x256xf32, #tpu.memory_space<hbm>> -> memref<128x256xf32, #tpu.memory_space<hbm>>
      %dma_wait3A_171 = arith.constant 0 : i32
      %dma_wait3A_172 = tpu.memref_slice %arg4[%add3A_168, %dma_wait3A_171] : memref<786432x256xf32, #tpu.memory_space<hbm>> -> memref<128x256xf32, #tpu.memory_space<hbm>>
      tpu.wait_dma2 semaphore(%arg14 : memref<!tpu.dma_semaphore, #tpu.memory_space<semaphore_mem>>) src(%arg8 : memref<128x256xf32, #tpu.memory_space<vmem>>) dst(%dma_wait3A_172 : memref<128x256xf32, #tpu.memory_space<hbm>>)
      %add3A_173 = arith.constant 3 : i32
      %add3A_174 = arith.addi %mul3A_74, %add3A_173 : i32
      %add3A_175 = arith.constant 2 : i32
      %add3A_176 = arith.addi %add3A_174, %add3A_175 : i32
      %mul3A_177 = arith.constant 128 : i32
      %mul3A_178 = arith.muli %add3A_176, %mul3A_177 : i32
      %dma_start3A_179 = tpu.memref_slice %arg5[%mul3A_178] : memref<24576xi32, #tpu.memory_space<vmem>> -> memref<128xi32, #tpu.memory_space<vmem>>
      %dma_start3A_180 = arith.constant 0 : i32
      %dma_start3A_181 = arith.constant 0 : i32
      %dma_start3A_182 = tpu.memref_slice %arg2[%dma_start3A_180, %dma_start3A_181] : memref<16384x256xf32, #tpu.memory_space<hbm>> -> memref<16384x256xf32, #tpu.memory_space<hbm>>
      tpu.enqueue_indirect_dma source(%dma_start3A_182 : memref<16384x256xf32, #tpu.memory_space<hbm>>) target(%arg8 : memref<128x256xf32, #tpu.memory_space<vmem>>) offsets(%dma_start3A_179 : memref<128xi32, #tpu.memory_space<vmem>>) semaphore(%arg11 : memref<!tpu.dma_semaphore, #tpu.memory_space<semaphore_mem>>)
    }
    %scan3A_21 = arith.constant 63 : i32
    %dma_wait3A = arith.constant 24192 : i32
    %dma_wait3A_22 = tpu.memref_slice %arg5[%dma_wait3A] : memref<24576xi32, #tpu.memory_space<vmem>> -> memref<128xi32, #tpu.memory_space<vmem>>
    %dma_wait3A_23 = arith.constant 0 : i32
    %dma_wait3A_24 = arith.constant 0 : i32
    %dma_wait3A_25 = tpu.memref_slice %arg2[%dma_wait3A_23, %dma_wait3A_24] : memref<16384x256xf32, #tpu.memory_space<hbm>> -> memref<16384x256xf32, #tpu.memory_space<hbm>>
    tpu.wait_indirect_dma semaphore(%arg9 : memref<!tpu.dma_semaphore, #tpu.memory_space<semaphore_mem>>) src(%dma_wait3A_25 : memref<16384x256xf32, #tpu.memory_space<hbm>>) dst(%arg6 : memref<128x256xf32, #tpu.memory_space<vmem>>)
    %add3A_26 = arith.constant 24192 : i32
    %add3A_27 = arith.addi %mul3A_2, %add3A_26 : i32
    %dma_start3A_28 = arith.constant 0 : i32
    %dma_start3A_29 = tpu.memref_slice %arg4[%add3A_27, %dma_start3A_28] : memref<786432x256xf32, #tpu.memory_space<hbm>> -> memref<128x256xf32, #tpu.memory_space<hbm>>
    %dma_start3A_30 = arith.constant 0 : i32
    %dma_start3A_31 = tpu.memref_slice %arg4[%add3A_27, %dma_start3A_30] : memref<786432x256xf32, #tpu.memory_space<hbm>> -> memref<128x256xf32, #tpu.memory_space<hbm>>
    tpu.enqueue_dma source(%arg6 : memref<128x256xf32, #tpu.memory_space<vmem>>) target(%dma_start3A_31 : memref<128x256xf32, #tpu.memory_space<hbm>>) target_semaphore(%arg12 : memref<!tpu.dma_semaphore, #tpu.memory_space<semaphore_mem>>)
    %dma_wait3A_32 = arith.constant 24320 : i32
    %dma_wait3A_33 = tpu.memref_slice %arg5[%dma_wait3A_32] : memref<24576xi32, #tpu.memory_space<vmem>> -> memref<128xi32, #tpu.memory_space<vmem>>
    %dma_wait3A_34 = arith.constant 0 : i32
    %dma_wait3A_35 = arith.constant 0 : i32
    %dma_wait3A_36 = tpu.memref_slice %arg2[%dma_wait3A_34, %dma_wait3A_35] : memref<16384x256xf32, #tpu.memory_space<hbm>> -> memref<16384x256xf32, #tpu.memory_space<hbm>>
    tpu.wait_indirect_dma semaphore(%arg10 : memref<!tpu.dma_semaphore, #tpu.memory_space<semaphore_mem>>) src(%dma_wait3A_36 : memref<16384x256xf32, #tpu.memory_space<hbm>>) dst(%arg7 : memref<128x256xf32, #tpu.memory_space<vmem>>)
    %add3A_37 = arith.constant 24320 : i32
    %add3A_38 = arith.addi %mul3A_2, %add3A_37 : i32
    %dma_start3A_39 = arith.constant 0 : i32
    %dma_start3A_40 = tpu.memref_slice %arg4[%add3A_38, %dma_start3A_39] : memref<786432x256xf32, #tpu.memory_space<hbm>> -> memref<128x256xf32, #tpu.memory_space<hbm>>
    %dma_start3A_41 = arith.constant 0 : i32
    %dma_start3A_42 = tpu.memref_slice %arg4[%add3A_38, %dma_start3A_41] : memref<786432x256xf32, #tpu.memory_space<hbm>> -> memref<128x256xf32, #tpu.memory_space<hbm>>
    tpu.enqueue_dma source(%arg7 : memref<128x256xf32, #tpu.memory_space<vmem>>) target(%dma_start3A_42 : memref<128x256xf32, #tpu.memory_space<hbm>>) target_semaphore(%arg13 : memref<!tpu.dma_semaphore, #tpu.memory_space<semaphore_mem>>)
    %dma_wait3A_43 = arith.constant 24448 : i32
    %dma_wait3A_44 = tpu.memref_slice %arg5[%dma_wait3A_43] : memref<24576xi32, #tpu.memory_space<vmem>> -> memref<128xi32, #tpu.memory_space<vmem>>
    %dma_wait3A_45 = arith.constant 0 : i32
    %dma_wait3A_46 = arith.constant 0 : i32
    %dma_wait3A_47 = tpu.memref_slice %arg2[%dma_wait3A_45, %dma_wait3A_46] : memref<16384x256xf32, #tpu.memory_space<hbm>> -> memref<16384x256xf32, #tpu.memory_space<hbm>>
    tpu.wait_indirect_dma semaphore(%arg11 : memref<!tpu.dma_semaphore, #tpu.memory_space<semaphore_mem>>) src(%dma_wait3A_47 : memref<16384x256xf32, #tpu.memory_space<hbm>>) dst(%arg8 : memref<128x256xf32, #tpu.memory_space<vmem>>)
    %add3A_48 = arith.constant 24448 : i32
    %add3A_49 = arith.addi %mul3A_2, %add3A_48 : i32
    %dma_start3A_50 = arith.constant 0 : i32
    %dma_start3A_51 = tpu.memref_slice %arg4[%add3A_49, %dma_start3A_50] : memref<786432x256xf32, #tpu.memory_space<hbm>> -> memref<128x256xf32, #tpu.memory_space<hbm>>
    %dma_start3A_52 = arith.constant 0 : i32
    %dma_start3A_53 = tpu.memref_slice %arg4[%add3A_49, %dma_start3A_52] : memref<786432x256xf32, #tpu.memory_space<hbm>> -> memref<128x256xf32, #tpu.memory_space<hbm>>
    tpu.enqueue_dma source(%arg8 : memref<128x256xf32, #tpu.memory_space<vmem>>) target(%dma_start3A_53 : memref<128x256xf32, #tpu.memory_space<hbm>>) target_semaphore(%arg14 : memref<!tpu.dma_semaphore, #tpu.memory_space<semaphore_mem>>)
    %add3A_54 = arith.constant 24192 : i32
    %add3A_55 = arith.addi %mul3A_2, %add3A_54 : i32
    %dma_wait3A_56 = arith.constant 0 : i32
    %dma_wait3A_57 = tpu.memref_slice %arg4[%add3A_55, %dma_wait3A_56] : memref<786432x256xf32, #tpu.memory_space<hbm>> -> memref<128x256xf32, #tpu.memory_space<hbm>>
    %dma_wait3A_58 = arith.constant 0 : i32
    %dma_wait3A_59 = tpu.memref_slice %arg4[%add3A_55, %dma_wait3A_58] : memref<786432x256xf32, #tpu.memory_space<hbm>> -> memref<128x256xf32, #tpu.memory_space<hbm>>
    tpu.wait_dma2 semaphore(%arg12 : memref<!tpu.dma_semaphore, #tpu.memory_space<semaphore_mem>>) src(%arg6 : memref<128x256xf32, #tpu.memory_space<vmem>>) dst(%dma_wait3A_59 : memref<128x256xf32, #tpu.memory_space<hbm>>)
    %add3A_60 = arith.constant 24320 : i32
    %add3A_61 = arith.addi %mul3A_2, %add3A_60 : i32
    %dma_wait3A_62 = arith.constant 0 : i32
    %dma_wait3A_63 = tpu.memref_slice %arg4[%add3A_61, %dma_wait3A_62] : memref<786432x256xf32, #tpu.memory_space<hbm>> -> memref<128x256xf32, #tpu.memory_space<hbm>>
    %dma_wait3A_64 = arith.constant 0 : i32
    %dma_wait3A_65 = tpu.memref_slice %arg4[%add3A_61, %dma_wait3A_64] : memref<786432x256xf32, #tpu.memory_space<hbm>> -> memref<128x256xf32, #tpu.memory_space<hbm>>
    tpu.wait_dma2 semaphore(%arg13 : memref<!tpu.dma_semaphore, #tpu.memory_space<semaphore_mem>>) src(%arg7 : memref<128x256xf32, #tpu.memory_space<vmem>>) dst(%dma_wait3A_65 : memref<128x256xf32, #tpu.memory_space<hbm>>)
    %add3A_66 = arith.constant 24448 : i32
    %add3A_67 = arith.addi %mul3A_2, %add3A_66 : i32
    %dma_wait3A_68 = arith.constant 0 : i32
    %dma_wait3A_69 = tpu.memref_slice %arg4[%add3A_67, %dma_wait3A_68] : memref<786432x256xf32, #tpu.memory_space<hbm>> -> memref<128x256xf32, #tpu.memory_space<hbm>>
    %dma_wait3A_70 = arith.constant 0 : i32
    %dma_wait3A_71 = tpu.memref_slice %arg4[%add3A_67, %dma_wait3A_70] : memref<786432x256xf32, #tpu.memory_space<hbm>> -> memref<128x256xf32, #tpu.memory_space<hbm>>
    tpu.wait_dma2 semaphore(%arg14 : memref<!tpu.dma_semaphore, #tpu.memory_space<semaphore_mem>>) src(%arg8 : memref<128x256xf32, #tpu.memory_space<vmem>>) dst(%dma_wait3A_71 : memref<128x256xf32, #tpu.memory_space<hbm>>)
    return
  }
}

module attributes {stable_mosaic.version = 14 : i64} {
  func.func @_pre_body(%arg0: i32, %arg1: memref<1024x128xf32, #tpu.memory_space<vmem>>, %arg2: memref<1024x4xi32, #tpu.memory_space<vmem>>, %arg3: memref<1024x48xi32, #tpu.memory_space<vmem>>, %arg4: memref<3x128xf32, #tpu.memory_space<vmem>>, %arg5: memref<1x128xf32, #tpu.memory_space<vmem>>, %arg6: memref<3x128xf32, #tpu.memory_space<vmem>>, %arg7: memref<1x128xf32, #tpu.memory_space<vmem>>, %arg8: memref<128x128xf32, #tpu.memory_space<vmem>>, %arg9: memref<1x128xf32, #tpu.memory_space<vmem>>, %arg10: memref<128x128xf32, #tpu.memory_space<vmem>>, %arg11: memref<1x128xf32, #tpu.memory_space<vmem>>, %arg12: memref<128x128xf32, #tpu.memory_space<vmem>>, %arg13: memref<1x128xf32, #tpu.memory_space<vmem>>, %arg14: memref<1024x256xf32, #tpu.memory_space<vmem>>, %arg15: memref<1024x128xf32, #tpu.memory_space<vmem>>, %arg16: memref<1024x48xi32, #tpu.memory_space<vmem>>) attributes {dimension_semantics = [#tpu.dimension_semantics<arbitrary>], iteration_bounds = array<i64: 16>, scalar_prefetch = 0 : i64, scratch_operands = 0 : i64, tpu.core_type = #tpu.core_type<tc>, window_params = [{transform_indices = @transform_0, window_bounds = array<i64: 1024, 128>}, {transform_indices = @transform_1, window_bounds = array<i64: 1024, 4>}, {transform_indices = @transform_2, window_bounds = array<i64: 1024, 48>}, {pipeline_mode = #tpu.pipeline_mode<synchronous>, transform_indices = @transform_3, window_bounds = array<i64: 3, 128>}, {pipeline_mode = #tpu.pipeline_mode<synchronous>, transform_indices = @transform_4, window_bounds = array<i64: 1, 128>}, {pipeline_mode = #tpu.pipeline_mode<synchronous>, transform_indices = @transform_5, window_bounds = array<i64: 3, 128>}, {pipeline_mode = #tpu.pipeline_mode<synchronous>, transform_indices = @transform_6, window_bounds = array<i64: 1, 128>}, {pipeline_mode = #tpu.pipeline_mode<synchronous>, transform_indices = @transform_7, window_bounds = array<i64: 128, 128>}, {pipeline_mode = #tpu.pipeline_mode<synchronous>, transform_indices = @transform_8, window_bounds = array<i64: 1, 128>}, {pipeline_mode = #tpu.pipeline_mode<synchronous>, transform_indices = @transform_9, window_bounds = array<i64: 128, 128>}, {pipeline_mode = #tpu.pipeline_mode<synchronous>, transform_indices = @transform_10, window_bounds = array<i64: 1, 128>}, {pipeline_mode = #tpu.pipeline_mode<synchronous>, transform_indices = @transform_11, window_bounds = array<i64: 128, 128>}, {pipeline_mode = #tpu.pipeline_mode<synchronous>, transform_indices = @transform_12, window_bounds = array<i64: 1, 128>}, {transform_indices = @transform_13, window_bounds = array<i64: 1024, 256>}, {transform_indices = @transform_14, window_bounds = array<i64: 1024, 128>}, {transform_indices = @transform_15, window_bounds = array<i64: 1024, 48>}]} {
    %get3A = arith.constant 0 : index
    %get3A_0 = arith.constant 0 : index
    %get3A_1 = vector.load %arg2[%get3A, %get3A_0] : memref<1024x4xi32, #tpu.memory_space<vmem>>, vector<1024x4xi32>
    %convert_element_type3A = arith.sitofp %get3A_1 : vector<1024x4xi32> to vector<1024x4xf32>
    %slice3A = vector.extract_strided_slice %convert_element_type3A {offsets = [0, 3], sizes = [1024, 1], strides = [1, 1]} : vector<1024x4xf32> to vector<1024x1xf32>
    %add3A = arith.constant 5.000000e-01 : f32
    %add3A_2 = vector.broadcast %add3A : f32 to vector<1024x1xf32>
    %add3A_3 = arith.addf %slice3A, %add3A_2 : vector<1024x1xf32>
    %mul3A = arith.constant 5.000000e-02 : f32
    %mul3A_4 = vector.broadcast %mul3A : f32 to vector<1024x1xf32>
    %mul3A_5 = arith.mulf %add3A_3, %mul3A_4 : vector<1024x1xf32>
    %slice3A_6 = vector.extract_strided_slice %convert_element_type3A {offsets = [0, 2], sizes = [1024, 1], strides = [1, 1]} : vector<1024x4xf32> to vector<1024x1xf32>
    %add3A_7 = arith.constant 5.000000e-01 : f32
    %add3A_8 = vector.broadcast %add3A_7 : f32 to vector<1024x1xf32>
    %add3A_9 = arith.addf %slice3A_6, %add3A_8 : vector<1024x1xf32>
    %mul3A_10 = arith.constant 5.000000e-02 : f32
    %mul3A_11 = vector.broadcast %mul3A_10 : f32 to vector<1024x1xf32>
    %mul3A_12 = arith.mulf %add3A_9, %mul3A_11 : vector<1024x1xf32>
    %sub3A = arith.constant 4.000000e+01 : f32
    %sub3A_13 = vector.broadcast %sub3A : f32 to vector<1024x1xf32>
    %sub3A_14 = arith.subf %mul3A_12, %sub3A_13 : vector<1024x1xf32>
    %slice3A_15 = vector.extract_strided_slice %convert_element_type3A {offsets = [0, 1], sizes = [1024, 1], strides = [1, 1]} : vector<1024x4xf32> to vector<1024x1xf32>
    %add3A_16 = arith.constant 5.000000e-01 : f32
    %add3A_17 = vector.broadcast %add3A_16 : f32 to vector<1024x1xf32>
    %add3A_18 = arith.addf %slice3A_15, %add3A_17 : vector<1024x1xf32>
    %mul3A_19 = arith.constant 1.000000e-01 : f32
    %mul3A_20 = vector.broadcast %mul3A_19 : f32 to vector<1024x1xf32>
    %mul3A_21 = arith.mulf %add3A_18, %mul3A_20 : vector<1024x1xf32>
    %sub3A_22 = arith.constant 3.000000e+00 : f32
    %sub3A_23 = vector.broadcast %sub3A_22 : f32 to vector<1024x1xf32>
    %sub3A_24 = arith.subf %mul3A_21, %sub3A_23 : vector<1024x1xf32>
    %concatenate3A = tpu.concatenate %mul3A_5, %sub3A_14, %sub3A_24 in 1 : vector<1024x1xf32>, vector<1024x1xf32>, vector<1024x1xf32> -> vector<1024x3xf32>
    %get3A_25 = arith.constant 0 : index
    %get3A_26 = arith.constant 0 : index
    %get3A_27 = vector.load %arg1[%get3A_25, %get3A_26] : memref<1024x128xf32, #tpu.memory_space<vmem>>, vector<1024x128xf32>
    %get3A_28 = arith.constant 0 : index
    %get3A_29 = arith.constant 0 : index
    %get3A_30 = vector.load %arg4[%get3A_28, %get3A_29] : memref<3x128xf32, #tpu.memory_space<vmem>>, vector<3x128xf32>
    %dot_general3A = arith.constant dense<0.000000e+00> : vector<1024x128xf32>
    %dot_general3A_31 = tpu.matmul %concatenate3A, %get3A_30, %dot_general3A {dimension_numbers = #tpu.dot_dimension_numbers<[1], [0], [0], [1], [0, 0, 1, 1], [], []>, transpose_lhs_hint = false} : vector<1024x3xf32>, vector<3x128xf32>, vector<1024x128xf32> -> vector<1024x128xf32>
    %get3A_32 = arith.constant 0 : index
    %get3A_33 = arith.constant 0 : index
    %get3A_34 = vector.load %arg5[%get3A_32, %get3A_33] : memref<1x128xf32, #tpu.memory_space<vmem>>, vector<1x128xf32>
    %add3A_35 = vector.broadcast %get3A_34 : vector<1x128xf32> to vector<1024x128xf32>
    %add3A_36 = arith.addf %dot_general3A_31, %add3A_35 : vector<1024x128xf32>
    %max3A = arith.constant 0.000000e+00 : f32
    %max3A_37 = vector.broadcast %max3A : f32 to vector<1024x128xf32>
    %max3A_38 = arith.maximumf %add3A_36, %max3A_37 : vector<1024x128xf32>
    %get3A_39 = arith.constant 0 : index
    %get3A_40 = arith.constant 0 : index
    %get3A_41 = vector.load %arg6[%get3A_39, %get3A_40] : memref<3x128xf32, #tpu.memory_space<vmem>>, vector<3x128xf32>
    %dot_general3A_42 = arith.constant dense<0.000000e+00> : vector<1024x128xf32>
    %dot_general3A_43 = tpu.matmul %concatenate3A, %get3A_41, %dot_general3A_42 {dimension_numbers = #tpu.dot_dimension_numbers<[1], [0], [0], [1], [0, 0, 1, 1], [], []>, transpose_lhs_hint = false} : vector<1024x3xf32>, vector<3x128xf32>, vector<1024x128xf32> -> vector<1024x128xf32>
    %get3A_44 = arith.constant 0 : index
    %get3A_45 = arith.constant 0 : index
    %get3A_46 = vector.load %arg7[%get3A_44, %get3A_45] : memref<1x128xf32, #tpu.memory_space<vmem>>, vector<1x128xf32>
    %add3A_47 = vector.broadcast %get3A_46 : vector<1x128xf32> to vector<1024x128xf32>
    %add3A_48 = arith.addf %dot_general3A_43, %add3A_47 : vector<1024x128xf32>
    %max3A_49 = arith.constant 0.000000e+00 : f32
    %max3A_50 = vector.broadcast %max3A_49 : f32 to vector<1024x128xf32>
    %max3A_51 = arith.maximumf %add3A_48, %max3A_50 : vector<1024x128xf32>
    %add3A_52 = arith.addf %get3A_27, %max3A_38 : vector<1024x128xf32>
    %get3A_53 = arith.constant 0 : index
    %get3A_54 = arith.constant 0 : index
    %get3A_55 = vector.load %arg8[%get3A_53, %get3A_54] : memref<128x128xf32, #tpu.memory_space<vmem>>, vector<128x128xf32>
    %dot_general3A_56 = arith.constant dense<0.000000e+00> : vector<1024x128xf32>
    %dot_general3A_57 = tpu.matmul %add3A_52, %get3A_55, %dot_general3A_56 {dimension_numbers = #tpu.dot_dimension_numbers<[1], [0], [0], [1], [0, 0, 1, 1], [], []>, transpose_lhs_hint = false} : vector<1024x128xf32>, vector<128x128xf32>, vector<1024x128xf32> -> vector<1024x128xf32>
    %get3A_58 = arith.constant 0 : index
    %get3A_59 = arith.constant 0 : index
    %get3A_60 = vector.load %arg9[%get3A_58, %get3A_59] : memref<1x128xf32, #tpu.memory_space<vmem>>, vector<1x128xf32>
    %add3A_61 = vector.broadcast %get3A_60 : vector<1x128xf32> to vector<1024x128xf32>
    %add3A_62 = arith.addf %dot_general3A_57, %add3A_61 : vector<1024x128xf32>
    %swap3A = arith.constant 0 : index
    %swap3A_63 = arith.constant 0 : index
    %swap3A_64 = vector.load %arg14[%swap3A, %swap3A_63] : memref<1024x256xf32, #tpu.memory_space<vmem>>, vector<1024x128xf32>
    tpu.vector_store %arg14[%swap3A, %swap3A_63], %add3A_62 {strides = array<i32>} : memref<1024x256xf32, #tpu.memory_space<vmem>>, vector<1024x128xf32>,
    %get3A_65 = arith.constant 0 : index
    %get3A_66 = arith.constant 0 : index
    %get3A_67 = vector.load %arg10[%get3A_65, %get3A_66] : memref<128x128xf32, #tpu.memory_space<vmem>>, vector<128x128xf32>
    %dot_general3A_68 = arith.constant dense<0.000000e+00> : vector<1024x128xf32>
    %dot_general3A_69 = tpu.matmul %add3A_52, %get3A_67, %dot_general3A_68 {dimension_numbers = #tpu.dot_dimension_numbers<[1], [0], [0], [1], [0, 0, 1, 1], [], []>, transpose_lhs_hint = false} : vector<1024x128xf32>, vector<128x128xf32>, vector<1024x128xf32> -> vector<1024x128xf32>
    %get3A_70 = arith.constant 0 : index
    %get3A_71 = arith.constant 0 : index
    %get3A_72 = vector.load %arg11[%get3A_70, %get3A_71] : memref<1x128xf32, #tpu.memory_space<vmem>>, vector<1x128xf32>
    %add3A_73 = vector.broadcast %get3A_72 : vector<1x128xf32> to vector<1024x128xf32>
    %add3A_74 = arith.addf %dot_general3A_69, %add3A_73 : vector<1024x128xf32>
    %swap3A_75 = arith.constant 0 : index
    %swap3A_76 = arith.constant 128 : index
    %swap3A_77 = vector.load %arg14[%swap3A_75, %swap3A_76] : memref<1024x256xf32, #tpu.memory_space<vmem>>, vector<1024x128xf32>
    tpu.vector_store %arg14[%swap3A_75, %swap3A_76], %add3A_74 {strides = array<i32>} : memref<1024x256xf32, #tpu.memory_space<vmem>>, vector<1024x128xf32>,
    %add3A_78 = arith.addf %get3A_27, %max3A_51 : vector<1024x128xf32>
    %get3A_79 = arith.constant 0 : index
    %get3A_80 = arith.constant 0 : index
    %get3A_81 = vector.load %arg12[%get3A_79, %get3A_80] : memref<128x128xf32, #tpu.memory_space<vmem>>, vector<128x128xf32>
    %dot_general3A_82 = arith.constant dense<0.000000e+00> : vector<1024x128xf32>
    %dot_general3A_83 = tpu.matmul %add3A_78, %get3A_81, %dot_general3A_82 {dimension_numbers = #tpu.dot_dimension_numbers<[1], [0], [0], [1], [0, 0, 1, 1], [], []>, transpose_lhs_hint = false} : vector<1024x128xf32>, vector<128x128xf32>, vector<1024x128xf32> -> vector<1024x128xf32>
    %get3A_84 = arith.constant 0 : index
    %get3A_85 = arith.constant 0 : index
    %get3A_86 = vector.load %arg13[%get3A_84, %get3A_85] : memref<1x128xf32, #tpu.memory_space<vmem>>, vector<1x128xf32>
    %add3A_87 = vector.broadcast %get3A_86 : vector<1x128xf32> to vector<1024x128xf32>
    %add3A_88 = arith.addf %dot_general3A_83, %add3A_87 : vector<1024x128xf32>
    %mul3A_89 = arith.constant 2.500000e-01 : f32
    %mul3A_90 = vector.broadcast %mul3A_89 : f32 to vector<1024x128xf32>
    %mul3A_91 = arith.mulf %add3A_88, %mul3A_90 : vector<1024x128xf32>
    %swap3A_92 = arith.constant 0 : index
    %swap3A_93 = arith.constant 0 : index
    %swap3A_94 = vector.load %arg15[%swap3A_92, %swap3A_93] : memref<1024x128xf32, #tpu.memory_space<vmem>>, vector<1024x128xf32>
    tpu.vector_store %arg15[%swap3A_92, %swap3A_93], %mul3A_91 {strides = array<i32>} : memref<1024x128xf32, #tpu.memory_space<vmem>>, vector<1024x128xf32>,
    %get3A_95 = arith.constant 0 : index
    %get3A_96 = arith.constant 0 : index
    %get3A_97 = vector.load %arg3[%get3A_95, %get3A_96] : memref<1024x48xi32, #tpu.memory_space<vmem>>, vector<1024x48xi32>
    %max3A_98 = arith.constant 0 : i32
    %max3A_99 = vector.broadcast %max3A_98 : i32 to vector<1024x48xi32>
    %max3A_100 = arith.maxsi %get3A_97, %max3A_99 : vector<1024x48xi32>
    %swap3A_101 = arith.constant 0 : index
    %swap3A_102 = arith.constant 0 : index
    %swap3A_103 = vector.load %arg16[%swap3A_101, %swap3A_102] : memref<1024x48xi32, #tpu.memory_space<vmem>>, vector<1024x48xi32>
    tpu.vector_store %arg16[%swap3A_101, %swap3A_102], %max3A_100 {strides = array<i32>} : memref<1024x48xi32, #tpu.memory_space<vmem>>, vector<1024x48xi32>,
    return
  }
  func.func @transform_0(%arg0: i32) -> (i32, i32) {
    %c0_i32 = arith.constant 0 : i32
    %c0_i32_0 = arith.constant 0 : i32
    return %arg0, %c0_i32 : i32, i32
  }
  func.func @transform_1(%arg0: i32) -> (i32, i32) {
    %c0_i32 = arith.constant 0 : i32
    %c0_i32_0 = arith.constant 0 : i32
    return %arg0, %c0_i32 : i32, i32
  }
  func.func @transform_2(%arg0: i32) -> (i32, i32) {
    %c0_i32 = arith.constant 0 : i32
    %c0_i32_0 = arith.constant 0 : i32
    return %arg0, %c0_i32 : i32, i32
  }
  func.func @transform_3(%arg0: i32) -> (i32, i32) {
    %c0_i32 = arith.constant 0 : i32
    %c0_i32_0 = arith.constant 0 : i32
    %c0_i32_1 = arith.constant 0 : i32
    return %c0_i32, %c0_i32_0 : i32, i32
  }
  func.func @transform_4(%arg0: i32) -> (i32, i32) {
    %c0_i32 = arith.constant 0 : i32
    %c0_i32_0 = arith.constant 0 : i32
    %c0_i32_1 = arith.constant 0 : i32
    return %c0_i32, %c0_i32_0 : i32, i32
  }
  func.func @transform_5(%arg0: i32) -> (i32, i32) {
    %c0_i32 = arith.constant 0 : i32
    %c0_i32_0 = arith.constant 0 : i32
    %c0_i32_1 = arith.constant 0 : i32
    return %c0_i32, %c0_i32_0 : i32, i32
  }
  func.func @transform_6(%arg0: i32) -> (i32, i32) {
    %c0_i32 = arith.constant 0 : i32
    %c0_i32_0 = arith.constant 0 : i32
    %c0_i32_1 = arith.constant 0 : i32
    return %c0_i32, %c0_i32_0 : i32, i32
  }
  func.func @transform_7(%arg0: i32) -> (i32, i32) {
    %c0_i32 = arith.constant 0 : i32
    %c0_i32_0 = arith.constant 0 : i32
    %c0_i32_1 = arith.constant 0 : i32
    return %c0_i32, %c0_i32_0 : i32, i32
  }
  func.func @transform_8(%arg0: i32) -> (i32, i32) {
    %c0_i32 = arith.constant 0 : i32
    %c0_i32_0 = arith.constant 0 : i32
    %c0_i32_1 = arith.constant 0 : i32
    return %c0_i32, %c0_i32_0 : i32, i32
  }
  func.func @transform_9(%arg0: i32) -> (i32, i32) {
    %c0_i32 = arith.constant 0 : i32
    %c0_i32_0 = arith.constant 0 : i32
    %c0_i32_1 = arith.constant 0 : i32
    return %c0_i32, %c0_i32_0 : i32, i32
  }
  func.func @transform_10(%arg0: i32) -> (i32, i32) {
    %c0_i32 = arith.constant 0 : i32
    %c0_i32_0 = arith.constant 0 : i32
    %c0_i32_1 = arith.constant 0 : i32
    return %c0_i32, %c0_i32_0 : i32, i32
  }
  func.func @transform_11(%arg0: i32) -> (i32, i32) {
    %c0_i32 = arith.constant 0 : i32
    %c0_i32_0 = arith.constant 0 : i32
    %c0_i32_1 = arith.constant 0 : i32
    return %c0_i32, %c0_i32_0 : i32, i32
  }
  func.func @transform_12(%arg0: i32) -> (i32, i32) {
    %c0_i32 = arith.constant 0 : i32
    %c0_i32_0 = arith.constant 0 : i32
    %c0_i32_1 = arith.constant 0 : i32
    return %c0_i32, %c0_i32_0 : i32, i32
  }
  func.func @transform_13(%arg0: i32) -> (i32, i32) {
    %c0_i32 = arith.constant 0 : i32
    %c0_i32_0 = arith.constant 0 : i32
    return %arg0, %c0_i32 : i32, i32
  }
  func.func @transform_14(%arg0: i32) -> (i32, i32) {
    %c0_i32 = arith.constant 0 : i32
    %c0_i32_0 = arith.constant 0 : i32
    return %arg0, %c0_i32 : i32, i32
  }
  func.func @transform_15(%arg0: i32) -> (i32, i32) {
    %c0_i32 = arith.constant 0 : i32
    %c0_i32_0 = arith.constant 0 : i32
    return %arg0, %c0_i32 : i32, i32
  }
}

module attributes {stable_mosaic.version = 14 : i64} {
  func.func @_attn_body(%arg0: i32, %arg1: memref<128x48x256xf32, #tpu.memory_space<vmem>>, %arg2: memref<128x128xf32, #tpu.memory_space<vmem>>, %arg3: memref<128x128xf32, #tpu.memory_space<vmem>>, %arg4: memref<128x48xi32, #tpu.memory_space<vmem>>, %arg5: memref<128x128xf32, #tpu.memory_space<vmem>>, %arg6: memref<128x128xf32, #tpu.memory_space<vmem>>, %arg7: memref<1x128xf32, #tpu.memory_space<vmem>>, %arg8: memref<128x128xf32, #tpu.memory_space<vmem>>, %arg9: memref<8x128xf32, #tpu.memory_space<vmem>>) attributes {dimension_semantics = [#tpu.dimension_semantics<arbitrary>], iteration_bounds = array<i64: 128>, scalar_prefetch = 0 : i64, scratch_operands = 0 : i64, tpu.core_type = #tpu.core_type<tc>, window_params = [{transform_indices = @transform_0, window_bounds = array<i64: 128, 48, 256>}, {transform_indices = @transform_1, window_bounds = array<i64: 128, 128>}, {transform_indices = @transform_2, window_bounds = array<i64: 128, 128>}, {transform_indices = @transform_3, window_bounds = array<i64: 128, 48>}, {pipeline_mode = #tpu.pipeline_mode<synchronous>, transform_indices = @transform_4, window_bounds = array<i64: 128, 128>}, {pipeline_mode = #tpu.pipeline_mode<synchronous>, transform_indices = @transform_5, window_bounds = array<i64: 128, 128>}, {pipeline_mode = #tpu.pipeline_mode<synchronous>, transform_indices = @transform_6, window_bounds = array<i64: 1, 128>}, {transform_indices = @transform_7, window_bounds = array<i64: 128, 128>}, {pipeline_mode = #tpu.pipeline_mode<synchronous>, transform_indices = @transform_8, window_bounds = array<i64: 8, 128>}]} {
    %get3A = arith.constant 0 : index
    %get3A_0 = arith.constant 0 : index
    %get3A_1 = arith.constant 0 : index
    %get3A_2 = vector.load %arg1[%get3A, %get3A_0, %get3A_1] : memref<128x48x256xf32, #tpu.memory_space<vmem>>, vector<128x48x256xf32>
    %get3A_3 = arith.constant 0 : index
    %get3A_4 = arith.constant 0 : index
    %get3A_5 = vector.load %arg2[%get3A_3, %get3A_4] : memref<128x128xf32, #tpu.memory_space<vmem>>, vector<128x128xf32>
    %slice3A = vector.extract_strided_slice %get3A_2 {offsets = [0, 0, 0], sizes = [128, 48, 128], strides = [1, 1, 1]} : vector<128x48x256xf32> to vector<128x48x128xf32>
    %slice3A_6 = vector.extract_strided_slice %get3A_2 {offsets = [0, 0, 128], sizes = [128, 48, 128], strides = [1, 1, 1]} : vector<128x48x256xf32> to vector<128x48x128xf32>
    %broadcast_in_dim3A = vector.shape_cast %get3A_5 : vector<128x128xf32> to vector<128x1x128xf32>
    %mul3A = vector.broadcast %broadcast_in_dim3A : vector<128x1x128xf32> to vector<128x48x128xf32>
    %mul3A_7 = arith.mulf %slice3A, %mul3A : vector<128x48x128xf32>
    %reshape3A = vector.shape_cast %mul3A_7 : vector<128x48x128xf32> to vector<6144x128xf32>
    %get3A_8 = arith.constant 0 : index
    %get3A_9 = arith.constant 0 : index
    %get3A_10 = vector.load %arg5[%get3A_8, %get3A_9] : memref<128x128xf32, #tpu.memory_space<vmem>>, vector<128x128xf32>
    %dot_general3A = arith.constant dense<0.000000e+00> : vector<6144x128xf32>
    %dot_general3A_11 = tpu.matmul %reshape3A, %get3A_10, %dot_general3A {dimension_numbers = #tpu.dot_dimension_numbers<[1], [0], [0], [1], [0, 0, 1, 1], [], []>, precision = #tpu.contract_precision<fp32>, transpose_lhs_hint = false} : vector<6144x128xf32>, vector<128x128xf32>, vector<6144x128xf32> -> vector<6144x128xf32>
    %reshape3A_12 = vector.shape_cast %dot_general3A_11 : vector<6144x128xf32> to vector<128x48x128xf32>
    %get3A_13 = arith.constant 0 : index
    %get3A_14 = arith.constant 0 : index
    %get3A_15 = vector.load %arg4[%get3A_13, %get3A_14] : memref<128x48xi32, #tpu.memory_space<vmem>>, vector<128x48xi32>
    %lt3A = arith.constant 0 : i32
    %lt3A_16 = vector.broadcast %lt3A : i32 to vector<128x48xi32>
    %lt3A_17 = arith.cmpi slt, %get3A_15, %lt3A_16 : vector<128x48xi32>
    %jit3A = arith.constant -1.000000e+09 : f32
    %jit3A_18 = arith.constant 0.000000e+00 : f32
    %broadcast_in_dim3A_19 = vector.broadcast %jit3A : f32 to vector<128x48xf32>
    %broadcast_in_dim3A_20 = vector.broadcast %jit3A_18 : f32 to vector<128x48xf32>
    %select_n3A = arith.select %lt3A_17, %broadcast_in_dim3A_19, %broadcast_in_dim3A_20 : vector<128x48xi1>, vector<128x48xf32>
    %broadcast_in_dim3A_21 = vector.shape_cast %select_n3A : vector<128x48xf32> to vector<128x48x1xf32>
    %broadcast_in_dim3A_22 = vector.broadcast %broadcast_in_dim3A_21 : vector<128x48x1xf32> to vector<128x48x128xf32>
    %add3A = arith.addf %reshape3A_12, %broadcast_in_dim3A_22 : vector<128x48x128xf32>
    %reduce_max3A = arith.constant dense<0xFF800000> : vector<128x128xf32>
    %reduce_max3A_23 = vector.multi_reduction <maximumf>, %add3A, %reduce_max3A [1] : vector<128x48x128xf32> to vector<128x128xf32>
    %broadcast_in_dim3A_24 = vector.shape_cast %reduce_max3A_23 : vector<128x128xf32> to vector<128x1x128xf32>
    %sub3A = vector.broadcast %broadcast_in_dim3A_24 : vector<128x1x128xf32> to vector<128x48x128xf32>
    %sub3A_25 = arith.subf %add3A, %sub3A : vector<128x48x128xf32>
    %exp3A = math.exp %sub3A_25 : vector<128x48x128xf32>
    %reduce_sum3A = arith.constant dense<0.000000e+00> : vector<128x128xf32>
    %reduce_sum3A_26 = vector.multi_reduction <add>, %exp3A, %reduce_sum3A [1] : vector<128x48x128xf32> to vector<128x128xf32>
    %broadcast_in_dim3A_27 = vector.shape_cast %reduce_sum3A_26 : vector<128x128xf32> to vector<128x1x128xf32>
    %div3A = vector.broadcast %broadcast_in_dim3A_27 : vector<128x1x128xf32> to vector<128x48x128xf32>
    %div3A_28 = arith.divf %exp3A, %div3A : vector<128x48x128xf32>
    %mul3A_29 = arith.mulf %div3A_28, %slice3A_6 : vector<128x48x128xf32>
    %reduce_sum3A_30 = arith.constant dense<0.000000e+00> : vector<128x128xf32>
    %reduce_sum3A_31 = vector.multi_reduction <add>, %mul3A_29, %reduce_sum3A_30 [1] : vector<128x48x128xf32> to vector<128x128xf32>
    %get3A_32 = arith.constant 0 : index
    %get3A_33 = arith.constant 0 : index
    %get3A_34 = vector.load %arg6[%get3A_32, %get3A_33] : memref<128x128xf32, #tpu.memory_space<vmem>>, vector<128x128xf32>
    %dot_general3A_35 = arith.constant dense<0.000000e+00> : vector<128x128xf32>
    %dot_general3A_36 = tpu.matmul %reduce_sum3A_31, %get3A_34, %dot_general3A_35 {dimension_numbers = #tpu.dot_dimension_numbers<[1], [0], [0], [1], [0, 0, 1, 1], [], []>, transpose_lhs_hint = false} : vector<128x128xf32>, vector<128x128xf32>, vector<128x128xf32> -> vector<128x128xf32>
    %get3A_37 = arith.constant 0 : index
    %get3A_38 = arith.constant 0 : index
    %get3A_39 = vector.load %arg7[%get3A_37, %get3A_38] : memref<1x128xf32, #tpu.memory_space<vmem>>, vector<1x128xf32>
    %add3A_40 = vector.broadcast %get3A_39 : vector<1x128xf32> to vector<128x128xf32>
    %add3A_41 = arith.addf %dot_general3A_36, %add3A_40 : vector<128x128xf32>
    %get3A_42 = arith.constant 0 : index
    %get3A_43 = arith.constant 0 : index
    %get3A_44 = vector.load %arg3[%get3A_42, %get3A_43] : memref<128x128xf32, #tpu.memory_space<vmem>>, vector<128x128xf32>
    %add3A_45 = arith.addf %get3A_44, %add3A_41 : vector<128x128xf32>
    %swap3A = arith.constant 0 : index
    %swap3A_46 = arith.constant 0 : index
    %swap3A_47 = vector.load %arg8[%swap3A, %swap3A_46] : memref<128x128xf32, #tpu.memory_space<vmem>>, vector<128x128xf32>
    tpu.vector_store %arg8[%swap3A, %swap3A_46], %add3A_45 {strides = array<i32>} : memref<128x128xf32, #tpu.memory_space<vmem>>, vector<128x128xf32>,
    %reduce_sum3A_48 = arith.constant dense<0.000000e+00> : vector<128xf32>
    %reduce_sum3A_49 = vector.multi_reduction <add>, %add3A_45, %reduce_sum3A_48 [0] : vector<128x128xf32> to vector<128xf32>
    %broadcast_in_dim3A_50 = vector.shape_cast %reduce_sum3A_49 : vector<128xf32> to vector<1x128xf32>
    %mul3A_51 = arith.mulf %add3A_45, %add3A_45 : vector<128x128xf32>
    %reduce_sum3A_52 = arith.constant dense<0.000000e+00> : vector<128xf32>
    %reduce_sum3A_53 = vector.multi_reduction <add>, %mul3A_51, %reduce_sum3A_52 [0] : vector<128x128xf32> to vector<128xf32>
    %broadcast_in_dim3A_54 = vector.shape_cast %reduce_sum3A_53 : vector<128xf32> to vector<1x128xf32>
    %broadcast_in_dim3A_55 = arith.constant 0.000000e+00 : f32
    %broadcast_in_dim3A_56 = vector.broadcast %broadcast_in_dim3A_55 : f32 to vector<6x128xf32>
    %concatenate3A = tpu.concatenate %broadcast_in_dim3A_50, %broadcast_in_dim3A_54, %broadcast_in_dim3A_56 in 0 : vector<1x128xf32>, vector<1x128xf32>, vector<6x128xf32> -> vector<8x128xf32>
    %eq3A = arith.constant 0 : i32
    %eq3A_57 = arith.cmpi eq, %arg0, %eq3A : i32
    %convert_element_type3A = arith.extui %eq3A_57 : i1 to i32
    %cond3A = arith.constant 0 : i32
    %cond3A_58 = arith.cmpi ne, %convert_element_type3A, %cond3A : i32
    scf.if %cond3A_58 {
      %broadcast_in_dim3A_66 = arith.constant 0.000000e+00 : f32
      %broadcast_in_dim3A_67 = vector.broadcast %broadcast_in_dim3A_66 : f32 to vector<8x128xf32>
      %swap3A_68 = arith.constant 0 : index
      %swap3A_69 = arith.constant 0 : index
      %swap3A_70 = vector.load %arg9[%swap3A_68, %swap3A_69] : memref<8x128xf32, #tpu.memory_space<vmem>>, vector<8x128xf32>
      tpu.vector_store %arg9[%swap3A_68, %swap3A_69], %broadcast_in_dim3A_67 {strides = array<i32>} : memref<8x128xf32, #tpu.memory_space<vmem>>, vector<8x128xf32>,
    } else {
    }
    %get3A_59 = arith.constant 0 : index
    %get3A_60 = arith.constant 0 : index
    %get3A_61 = vector.load %arg9[%get3A_59, %get3A_60] : memref<8x128xf32, #tpu.memory_space<vmem>>, vector<8x128xf32>
    %add3A_62 = arith.addf %get3A_61, %concatenate3A : vector<8x128xf32>
    %swap3A_63 = arith.constant 0 : index
    %swap3A_64 = arith.constant 0 : index
    %swap3A_65 = vector.load %arg9[%swap3A_63, %swap3A_64] : memref<8x128xf32, #tpu.memory_space<vmem>>, vector<8x128xf32>
    tpu.vector_store %arg9[%swap3A_63, %swap3A_64], %add3A_62 {strides = array<i32>} : memref<8x128xf32, #tpu.memory_space<vmem>>, vector<8x128xf32>,
    return
  }
  func.func @transform_0(%arg0: i32) -> (i32, i32, i32) {
    %c0_i32 = arith.constant 0 : i32
    %c0_i32_0 = arith.constant 0 : i32
    %c0_i32_1 = arith.constant 0 : i32
    return %arg0, %c0_i32, %c0_i32_0 : i32, i32, i32
  }
  func.func @transform_1(%arg0: i32) -> (i32, i32) {
    %c0_i32 = arith.constant 0 : i32
    %c0_i32_0 = arith.constant 0 : i32
    return %arg0, %c0_i32 : i32, i32
  }
  func.func @transform_2(%arg0: i32) -> (i32, i32) {
    %c0_i32 = arith.constant 0 : i32
    %c0_i32_0 = arith.constant 0 : i32
    return %arg0, %c0_i32 : i32, i32
  }
  func.func @transform_3(%arg0: i32) -> (i32, i32) {
    %c0_i32 = arith.constant 0 : i32
    %c0_i32_0 = arith.constant 0 : i32
    return %arg0, %c0_i32 : i32, i32
  }
  func.func @transform_4(%arg0: i32) -> (i32, i32) {
    %c0_i32 = arith.constant 0 : i32
    %c0_i32_0 = arith.constant 0 : i32
    %c0_i32_1 = arith.constant 0 : i32
    return %c0_i32, %c0_i32_0 : i32, i32
  }
  func.func @transform_5(%arg0: i32) -> (i32, i32) {
    %c0_i32 = arith.constant 0 : i32
    %c0_i32_0 = arith.constant 0 : i32
    %c0_i32_1 = arith.constant 0 : i32
    return %c0_i32, %c0_i32_0 : i32, i32
  }
  func.func @transform_6(%arg0: i32) -> (i32, i32) {
    %c0_i32 = arith.constant 0 : i32
    %c0_i32_0 = arith.constant 0 : i32
    %c0_i32_1 = arith.constant 0 : i32
    return %c0_i32, %c0_i32_0 : i32, i32
  }
  func.func @transform_7(%arg0: i32) -> (i32, i32) {
    %c0_i32 = arith.constant 0 : i32
    %c0_i32_0 = arith.constant 0 : i32
    return %arg0, %c0_i32 : i32, i32
  }
  func.func @transform_8(%arg0: i32) -> (i32, i32) {
    %c0_i32 = arith.constant 0 : i32
    %c0_i32_0 = arith.constant 0 : i32
    %c0_i32_1 = arith.constant 0 : i32
    return %c0_i32, %c0_i32_0 : i32, i32
  }
}

module attributes {stable_mosaic.version = 14 : i64} {
  func.func @_ffn_body(%arg0: i32, %arg1: memref<2048x128xf32, #tpu.memory_space<vmem>>, %arg2: memref<8x128xf32, #tpu.memory_space<vmem>>, %arg3: memref<1x128xf32, #tpu.memory_space<vmem>>, %arg4: memref<1x128xf32, #tpu.memory_space<vmem>>, %arg5: memref<128x256xf32, #tpu.memory_space<vmem>>, %arg6: memref<1x256xf32, #tpu.memory_space<vmem>>, %arg7: memref<256x128xf32, #tpu.memory_space<vmem>>, %arg8: memref<1x128xf32, #tpu.memory_space<vmem>>, %arg9: memref<2048x128xf32, #tpu.memory_space<vmem>>, %arg10: memref<8x128xf32, #tpu.memory_space<vmem>>) attributes {dimension_semantics = [#tpu.dimension_semantics<arbitrary>], iteration_bounds = array<i64: 8>, scalar_prefetch = 0 : i64, scratch_operands = 0 : i64, tpu.core_type = #tpu.core_type<tc>, window_params = [{transform_indices = @transform_0, window_bounds = array<i64: 2048, 128>}, {pipeline_mode = #tpu.pipeline_mode<synchronous>, transform_indices = @transform_1, window_bounds = array<i64: 8, 128>}, {pipeline_mode = #tpu.pipeline_mode<synchronous>, transform_indices = @transform_2, window_bounds = array<i64: 1, 128>}, {pipeline_mode = #tpu.pipeline_mode<synchronous>, transform_indices = @transform_3, window_bounds = array<i64: 1, 128>}, {pipeline_mode = #tpu.pipeline_mode<synchronous>, transform_indices = @transform_4, window_bounds = array<i64: 128, 256>}, {pipeline_mode = #tpu.pipeline_mode<synchronous>, transform_indices = @transform_5, window_bounds = array<i64: 1, 256>}, {pipeline_mode = #tpu.pipeline_mode<synchronous>, transform_indices = @transform_6, window_bounds = array<i64: 256, 128>}, {pipeline_mode = #tpu.pipeline_mode<synchronous>, transform_indices = @transform_7, window_bounds = array<i64: 1, 128>}, {transform_indices = @transform_8, window_bounds = array<i64: 2048, 128>}, {pipeline_mode = #tpu.pipeline_mode<synchronous>, transform_indices = @transform_9, window_bounds = array<i64: 8, 128>}]} {
    %get3A = arith.constant 0 : index
    %get3A_0 = arith.constant 0 : index
    %get3A_1 = vector.load %arg2[%get3A, %get3A_0] : memref<8x128xf32, #tpu.memory_space<vmem>>, vector<1x128xf32>
    %mul3A = arith.constant 6.10351563E-5 : f32
    %mul3A_2 = vector.broadcast %mul3A : f32 to vector<1x128xf32>
    %mul3A_3 = arith.mulf %get3A_1, %mul3A_2 : vector<1x128xf32>
    %get3A_4 = arith.constant 1 : index
    %get3A_5 = arith.constant 0 : index
    %get3A_6 = vector.load %arg2[%get3A_4, %get3A_5] : memref<8x128xf32, #tpu.memory_space<vmem>>, vector<1x128xf32>
    %mul3A_7 = arith.constant 6.10351563E-5 : f32
    %mul3A_8 = vector.broadcast %mul3A_7 : f32 to vector<1x128xf32>
    %mul3A_9 = arith.mulf %get3A_6, %mul3A_8 : vector<1x128xf32>
    %mul3A_10 = arith.mulf %mul3A_3, %mul3A_3 : vector<1x128xf32>
    %sub3A = arith.subf %mul3A_9, %mul3A_10 : vector<1x128xf32>
    %get3A_11 = arith.constant 0 : index
    %get3A_12 = arith.constant 0 : index
    %get3A_13 = vector.load %arg1[%get3A_11, %get3A_12] : memref<2048x128xf32, #tpu.memory_space<vmem>>, vector<2048x128xf32>
    %sub3A_14 = vector.broadcast %mul3A_3 : vector<1x128xf32> to vector<2048x128xf32>
    %sub3A_15 = arith.subf %get3A_13, %sub3A_14 : vector<2048x128xf32>
    %add3A = arith.constant 9.99999974E-6 : f32
    %add3A_16 = vector.broadcast %add3A : f32 to vector<1x128xf32>
    %add3A_17 = arith.addf %sub3A, %add3A_16 : vector<1x128xf32>
    %rsqrt3A = math.rsqrt %add3A_17 : vector<1x128xf32>
    %mul3A_18 = vector.broadcast %rsqrt3A : vector<1x128xf32> to vector<2048x128xf32>
    %mul3A_19 = arith.mulf %sub3A_15, %mul3A_18 : vector<2048x128xf32>
    %get3A_20 = arith.constant 0 : index
    %get3A_21 = arith.constant 0 : index
    %get3A_22 = vector.load %arg3[%get3A_20, %get3A_21] : memref<1x128xf32, #tpu.memory_space<vmem>>, vector<1x128xf32>
    %mul3A_23 = vector.broadcast %get3A_22 : vector<1x128xf32> to vector<2048x128xf32>
    %mul3A_24 = arith.mulf %mul3A_19, %mul3A_23 : vector<2048x128xf32>
    %get3A_25 = arith.constant 0 : index
    %get3A_26 = arith.constant 0 : index
    %get3A_27 = vector.load %arg4[%get3A_25, %get3A_26] : memref<1x128xf32, #tpu.memory_space<vmem>>, vector<1x128xf32>
    %add3A_28 = vector.broadcast %get3A_27 : vector<1x128xf32> to vector<2048x128xf32>
    %add3A_29 = arith.addf %mul3A_24, %add3A_28 : vector<2048x128xf32>
    %get3A_30 = arith.constant 0 : index
    %get3A_31 = arith.constant 0 : index
    %get3A_32 = vector.load %arg5[%get3A_30, %get3A_31] : memref<128x256xf32, #tpu.memory_space<vmem>>, vector<128x256xf32>
    %dot_general3A = arith.constant dense<0.000000e+00> : vector<2048x256xf32>
    %dot_general3A_33 = tpu.matmul %add3A_29, %get3A_32, %dot_general3A {dimension_numbers = #tpu.dot_dimension_numbers<[1], [0], [0], [1], [0, 0, 1, 1], [], []>, transpose_lhs_hint = false} : vector<2048x128xf32>, vector<128x256xf32>, vector<2048x256xf32> -> vector<2048x256xf32>
    %get3A_34 = arith.constant 0 : index
    %get3A_35 = arith.constant 0 : index
    %get3A_36 = vector.load %arg6[%get3A_34, %get3A_35] : memref<1x256xf32, #tpu.memory_space<vmem>>, vector<1x256xf32>
    %add3A_37 = vector.broadcast %get3A_36 : vector<1x256xf32> to vector<2048x256xf32>
    %add3A_38 = arith.addf %dot_general3A_33, %add3A_37 : vector<2048x256xf32>
    %max3A = arith.constant 0.000000e+00 : f32
    %max3A_39 = vector.broadcast %max3A : f32 to vector<2048x256xf32>
    %max3A_40 = arith.maximumf %add3A_38, %max3A_39 : vector<2048x256xf32>
    %get3A_41 = arith.constant 0 : index
    %get3A_42 = arith.constant 0 : index
    %get3A_43 = vector.load %arg7[%get3A_41, %get3A_42] : memref<256x128xf32, #tpu.memory_space<vmem>>, vector<256x128xf32>
    %dot_general3A_44 = arith.constant dense<0.000000e+00> : vector<2048x128xf32>
    %dot_general3A_45 = tpu.matmul %max3A_40, %get3A_43, %dot_general3A_44 {dimension_numbers = #tpu.dot_dimension_numbers<[1], [0], [0], [1], [0, 0, 1, 1], [], []>, transpose_lhs_hint = false} : vector<2048x256xf32>, vector<256x128xf32>, vector<2048x128xf32> -> vector<2048x128xf32>
    %get3A_46 = arith.constant 0 : index
    %get3A_47 = arith.constant 0 : index
    %get3A_48 = vector.load %arg8[%get3A_46, %get3A_47] : memref<1x128xf32, #tpu.memory_space<vmem>>, vector<1x128xf32>
    %add3A_49 = vector.broadcast %get3A_48 : vector<1x128xf32> to vector<2048x128xf32>
    %add3A_50 = arith.addf %dot_general3A_45, %add3A_49 : vector<2048x128xf32>
    %add3A_51 = arith.addf %add3A_29, %add3A_50 : vector<2048x128xf32>
    %swap3A = arith.constant 0 : index
    %swap3A_52 = arith.constant 0 : index
    %swap3A_53 = vector.load %arg9[%swap3A, %swap3A_52] : memref<2048x128xf32, #tpu.memory_space<vmem>>, vector<2048x128xf32>
    tpu.vector_store %arg9[%swap3A, %swap3A_52], %add3A_51 {strides = array<i32>} : memref<2048x128xf32, #tpu.memory_space<vmem>>, vector<2048x128xf32>,
    %reduce_sum3A = arith.constant dense<0.000000e+00> : vector<128xf32>
    %reduce_sum3A_54 = vector.multi_reduction <add>, %add3A_51, %reduce_sum3A [0] : vector<2048x128xf32> to vector<128xf32>
    %broadcast_in_dim3A = vector.shape_cast %reduce_sum3A_54 : vector<128xf32> to vector<1x128xf32>
    %mul3A_55 = arith.mulf %add3A_51, %add3A_51 : vector<2048x128xf32>
    %reduce_sum3A_56 = arith.constant dense<0.000000e+00> : vector<128xf32>
    %reduce_sum3A_57 = vector.multi_reduction <add>, %mul3A_55, %reduce_sum3A_56 [0] : vector<2048x128xf32> to vector<128xf32>
    %broadcast_in_dim3A_58 = vector.shape_cast %reduce_sum3A_57 : vector<128xf32> to vector<1x128xf32>
    %broadcast_in_dim3A_59 = arith.constant 0.000000e+00 : f32
    %broadcast_in_dim3A_60 = vector.broadcast %broadcast_in_dim3A_59 : f32 to vector<6x128xf32>
    %concatenate3A = tpu.concatenate %broadcast_in_dim3A, %broadcast_in_dim3A_58, %broadcast_in_dim3A_60 in 0 : vector<1x128xf32>, vector<1x128xf32>, vector<6x128xf32> -> vector<8x128xf32>
    %eq3A = arith.constant 0 : i32
    %eq3A_61 = arith.cmpi eq, %arg0, %eq3A : i32
    %convert_element_type3A = arith.extui %eq3A_61 : i1 to i32
    %cond3A = arith.constant 0 : i32
    %cond3A_62 = arith.cmpi ne, %convert_element_type3A, %cond3A : i32
    scf.if %cond3A_62 {
      %broadcast_in_dim3A_70 = arith.constant 0.000000e+00 : f32
      %broadcast_in_dim3A_71 = vector.broadcast %broadcast_in_dim3A_70 : f32 to vector<8x128xf32>
      %swap3A_72 = arith.constant 0 : index
      %swap3A_73 = arith.constant 0 : index
      %swap3A_74 = vector.load %arg10[%swap3A_72, %swap3A_73] : memref<8x128xf32, #tpu.memory_space<vmem>>, vector<8x128xf32>
      tpu.vector_store %arg10[%swap3A_72, %swap3A_73], %broadcast_in_dim3A_71 {strides = array<i32>} : memref<8x128xf32, #tpu.memory_space<vmem>>, vector<8x128xf32>,
    } else {
    }
    %get3A_63 = arith.constant 0 : index
    %get3A_64 = arith.constant 0 : index
    %get3A_65 = vector.load %arg10[%get3A_63, %get3A_64] : memref<8x128xf32, #tpu.memory_space<vmem>>, vector<8x128xf32>
    %add3A_66 = arith.addf %get3A_65, %concatenate3A : vector<8x128xf32>
    %swap3A_67 = arith.constant 0 : index
    %swap3A_68 = arith.constant 0 : index
    %swap3A_69 = vector.load %arg10[%swap3A_67, %swap3A_68] : memref<8x128xf32, #tpu.memory_space<vmem>>, vector<8x128xf32>
    tpu.vector_store %arg10[%swap3A_67, %swap3A_68], %add3A_66 {strides = array<i32>} : memref<8x128xf32, #tpu.memory_space<vmem>>, vector<8x128xf32>,
    return
  }
  func.func @transform_0(%arg0: i32) -> (i32, i32) {
    %c0_i32 = arith.constant 0 : i32
    %c0_i32_0 = arith.constant 0 : i32
    return %arg0, %c0_i32 : i32, i32
  }
  func.func @transform_1(%arg0: i32) -> (i32, i32) {
    %c0_i32 = arith.constant 0 : i32
    %c0_i32_0 = arith.constant 0 : i32
    %c0_i32_1 = arith.constant 0 : i32
    return %c0_i32, %c0_i32_0 : i32, i32
  }
  func.func @transform_2(%arg0: i32) -> (i32, i32) {
    %c0_i32 = arith.constant 0 : i32
    %c0_i32_0 = arith.constant 0 : i32
    %c0_i32_1 = arith.constant 0 : i32
    return %c0_i32, %c0_i32_0 : i32, i32
  }
  func.func @transform_3(%arg0: i32) -> (i32, i32) {
    %c0_i32 = arith.constant 0 : i32
    %c0_i32_0 = arith.constant 0 : i32
    %c0_i32_1 = arith.constant 0 : i32
    return %c0_i32, %c0_i32_0 : i32, i32
  }
  func.func @transform_4(%arg0: i32) -> (i32, i32) {
    %c0_i32 = arith.constant 0 : i32
    %c0_i32_0 = arith.constant 0 : i32
    %c0_i32_1 = arith.constant 0 : i32
    return %c0_i32, %c0_i32_0 : i32, i32
  }
  func.func @transform_5(%arg0: i32) -> (i32, i32) {
    %c0_i32 = arith.constant 0 : i32
    %c0_i32_0 = arith.constant 0 : i32
    %c0_i32_1 = arith.constant 0 : i32
    return %c0_i32, %c0_i32_0 : i32, i32
  }
  func.func @transform_6(%arg0: i32) -> (i32, i32) {
    %c0_i32 = arith.constant 0 : i32
    %c0_i32_0 = arith.constant 0 : i32
    %c0_i32_1 = arith.constant 0 : i32
    return %c0_i32, %c0_i32_0 : i32, i32
  }
  func.func @transform_7(%arg0: i32) -> (i32, i32) {
    %c0_i32 = arith.constant 0 : i32
    %c0_i32_0 = arith.constant 0 : i32
    %c0_i32_1 = arith.constant 0 : i32
    return %c0_i32, %c0_i32_0 : i32, i32
  }
  func.func @transform_8(%arg0: i32) -> (i32, i32) {
    %c0_i32 = arith.constant 0 : i32
    %c0_i32_0 = arith.constant 0 : i32
    return %arg0, %c0_i32 : i32, i32
  }
  func.func @transform_9(%arg0: i32) -> (i32, i32) {
    %c0_i32 = arith.constant 0 : i32
    %c0_i32_0 = arith.constant 0 : i32
    %c0_i32_1 = arith.constant 0 : i32
    return %c0_i32, %c0_i32_0 : i32, i32
  }
}

module attributes {stable_mosaic.version = 14 : i64} {
  func.func @_proj_body(%arg0: i32, %arg1: memref<2048x128xf32, #tpu.memory_space<vmem>>, %arg2: memref<8x128xf32, #tpu.memory_space<vmem>>, %arg3: memref<1x128xf32, #tpu.memory_space<vmem>>, %arg4: memref<1x128xf32, #tpu.memory_space<vmem>>, %arg5: memref<128x128xf32, #tpu.memory_space<vmem>>, %arg6: memref<1x128xf32, #tpu.memory_space<vmem>>, %arg7: memref<2048x128xf32, #tpu.memory_space<vmem>>, %arg8: memref<8x128xf32, #tpu.memory_space<vmem>>) attributes {dimension_semantics = [#tpu.dimension_semantics<arbitrary>], iteration_bounds = array<i64: 8>, scalar_prefetch = 0 : i64, scratch_operands = 0 : i64, tpu.core_type = #tpu.core_type<tc>, window_params = [{transform_indices = @transform_0, window_bounds = array<i64: 2048, 128>}, {pipeline_mode = #tpu.pipeline_mode<synchronous>, transform_indices = @transform_1, window_bounds = array<i64: 8, 128>}, {pipeline_mode = #tpu.pipeline_mode<synchronous>, transform_indices = @transform_2, window_bounds = array<i64: 1, 128>}, {pipeline_mode = #tpu.pipeline_mode<synchronous>, transform_indices = @transform_3, window_bounds = array<i64: 1, 128>}, {pipeline_mode = #tpu.pipeline_mode<synchronous>, transform_indices = @transform_4, window_bounds = array<i64: 128, 128>}, {pipeline_mode = #tpu.pipeline_mode<synchronous>, transform_indices = @transform_5, window_bounds = array<i64: 1, 128>}, {transform_indices = @transform_6, window_bounds = array<i64: 2048, 128>}, {pipeline_mode = #tpu.pipeline_mode<synchronous>, transform_indices = @transform_7, window_bounds = array<i64: 8, 128>}]} {
    %get3A = arith.constant 0 : index
    %get3A_0 = arith.constant 0 : index
    %get3A_1 = vector.load %arg2[%get3A, %get3A_0] : memref<8x128xf32, #tpu.memory_space<vmem>>, vector<1x128xf32>
    %mul3A = arith.constant 6.10351563E-5 : f32
    %mul3A_2 = vector.broadcast %mul3A : f32 to vector<1x128xf32>
    %mul3A_3 = arith.mulf %get3A_1, %mul3A_2 : vector<1x128xf32>
    %get3A_4 = arith.constant 1 : index
    %get3A_5 = arith.constant 0 : index
    %get3A_6 = vector.load %arg2[%get3A_4, %get3A_5] : memref<8x128xf32, #tpu.memory_space<vmem>>, vector<1x128xf32>
    %mul3A_7 = arith.constant 6.10351563E-5 : f32
    %mul3A_8 = vector.broadcast %mul3A_7 : f32 to vector<1x128xf32>
    %mul3A_9 = arith.mulf %get3A_6, %mul3A_8 : vector<1x128xf32>
    %mul3A_10 = arith.mulf %mul3A_3, %mul3A_3 : vector<1x128xf32>
    %sub3A = arith.subf %mul3A_9, %mul3A_10 : vector<1x128xf32>
    %get3A_11 = arith.constant 0 : index
    %get3A_12 = arith.constant 0 : index
    %get3A_13 = vector.load %arg1[%get3A_11, %get3A_12] : memref<2048x128xf32, #tpu.memory_space<vmem>>, vector<2048x128xf32>
    %sub3A_14 = vector.broadcast %mul3A_3 : vector<1x128xf32> to vector<2048x128xf32>
    %sub3A_15 = arith.subf %get3A_13, %sub3A_14 : vector<2048x128xf32>
    %add3A = arith.constant 9.99999974E-6 : f32
    %add3A_16 = vector.broadcast %add3A : f32 to vector<1x128xf32>
    %add3A_17 = arith.addf %sub3A, %add3A_16 : vector<1x128xf32>
    %rsqrt3A = math.rsqrt %add3A_17 : vector<1x128xf32>
    %mul3A_18 = vector.broadcast %rsqrt3A : vector<1x128xf32> to vector<2048x128xf32>
    %mul3A_19 = arith.mulf %sub3A_15, %mul3A_18 : vector<2048x128xf32>
    %get3A_20 = arith.constant 0 : index
    %get3A_21 = arith.constant 0 : index
    %get3A_22 = vector.load %arg3[%get3A_20, %get3A_21] : memref<1x128xf32, #tpu.memory_space<vmem>>, vector<1x128xf32>
    %mul3A_23 = vector.broadcast %get3A_22 : vector<1x128xf32> to vector<2048x128xf32>
    %mul3A_24 = arith.mulf %mul3A_19, %mul3A_23 : vector<2048x128xf32>
    %get3A_25 = arith.constant 0 : index
    %get3A_26 = arith.constant 0 : index
    %get3A_27 = vector.load %arg4[%get3A_25, %get3A_26] : memref<1x128xf32, #tpu.memory_space<vmem>>, vector<1x128xf32>
    %add3A_28 = vector.broadcast %get3A_27 : vector<1x128xf32> to vector<2048x128xf32>
    %add3A_29 = arith.addf %mul3A_24, %add3A_28 : vector<2048x128xf32>
    %get3A_30 = arith.constant 0 : index
    %get3A_31 = arith.constant 0 : index
    %get3A_32 = vector.load %arg5[%get3A_30, %get3A_31] : memref<128x128xf32, #tpu.memory_space<vmem>>, vector<128x128xf32>
    %dot_general3A = arith.constant dense<0.000000e+00> : vector<2048x128xf32>
    %dot_general3A_33 = tpu.matmul %add3A_29, %get3A_32, %dot_general3A {dimension_numbers = #tpu.dot_dimension_numbers<[1], [0], [0], [1], [0, 0, 1, 1], [], []>, transpose_lhs_hint = false} : vector<2048x128xf32>, vector<128x128xf32>, vector<2048x128xf32> -> vector<2048x128xf32>
    %get3A_34 = arith.constant 0 : index
    %get3A_35 = arith.constant 0 : index
    %get3A_36 = vector.load %arg6[%get3A_34, %get3A_35] : memref<1x128xf32, #tpu.memory_space<vmem>>, vector<1x128xf32>
    %add3A_37 = vector.broadcast %get3A_36 : vector<1x128xf32> to vector<2048x128xf32>
    %add3A_38 = arith.addf %dot_general3A_33, %add3A_37 : vector<2048x128xf32>
    %swap3A = arith.constant 0 : index
    %swap3A_39 = arith.constant 0 : index
    %swap3A_40 = vector.load %arg7[%swap3A, %swap3A_39] : memref<2048x128xf32, #tpu.memory_space<vmem>>, vector<2048x128xf32>
    tpu.vector_store %arg7[%swap3A, %swap3A_39], %add3A_38 {strides = array<i32>} : memref<2048x128xf32, #tpu.memory_space<vmem>>, vector<2048x128xf32>,
    %reduce_sum3A = arith.constant dense<0.000000e+00> : vector<128xf32>
    %reduce_sum3A_41 = vector.multi_reduction <add>, %add3A_38, %reduce_sum3A [0] : vector<2048x128xf32> to vector<128xf32>
    %broadcast_in_dim3A = vector.shape_cast %reduce_sum3A_41 : vector<128xf32> to vector<1x128xf32>
    %mul3A_42 = arith.mulf %add3A_38, %add3A_38 : vector<2048x128xf32>
    %reduce_sum3A_43 = arith.constant dense<0.000000e+00> : vector<128xf32>
    %reduce_sum3A_44 = vector.multi_reduction <add>, %mul3A_42, %reduce_sum3A_43 [0] : vector<2048x128xf32> to vector<128xf32>
    %broadcast_in_dim3A_45 = vector.shape_cast %reduce_sum3A_44 : vector<128xf32> to vector<1x128xf32>
    %broadcast_in_dim3A_46 = arith.constant 0.000000e+00 : f32
    %broadcast_in_dim3A_47 = vector.broadcast %broadcast_in_dim3A_46 : f32 to vector<6x128xf32>
    %concatenate3A = tpu.concatenate %broadcast_in_dim3A, %broadcast_in_dim3A_45, %broadcast_in_dim3A_47 in 0 : vector<1x128xf32>, vector<1x128xf32>, vector<6x128xf32> -> vector<8x128xf32>
    %eq3A = arith.constant 0 : i32
    %eq3A_48 = arith.cmpi eq, %arg0, %eq3A : i32
    %convert_element_type3A = arith.extui %eq3A_48 : i1 to i32
    %cond3A = arith.constant 0 : i32
    %cond3A_49 = arith.cmpi ne, %convert_element_type3A, %cond3A : i32
    scf.if %cond3A_49 {
      %broadcast_in_dim3A_57 = arith.constant 0.000000e+00 : f32
      %broadcast_in_dim3A_58 = vector.broadcast %broadcast_in_dim3A_57 : f32 to vector<8x128xf32>
      %swap3A_59 = arith.constant 0 : index
      %swap3A_60 = arith.constant 0 : index
      %swap3A_61 = vector.load %arg8[%swap3A_59, %swap3A_60] : memref<8x128xf32, #tpu.memory_space<vmem>>, vector<8x128xf32>
      tpu.vector_store %arg8[%swap3A_59, %swap3A_60], %broadcast_in_dim3A_58 {strides = array<i32>} : memref<8x128xf32, #tpu.memory_space<vmem>>, vector<8x128xf32>,
    } else {
    }
    %get3A_50 = arith.constant 0 : index
    %get3A_51 = arith.constant 0 : index
    %get3A_52 = vector.load %arg8[%get3A_50, %get3A_51] : memref<8x128xf32, #tpu.memory_space<vmem>>, vector<8x128xf32>
    %add3A_53 = arith.addf %get3A_52, %concatenate3A : vector<8x128xf32>
    %swap3A_54 = arith.constant 0 : index
    %swap3A_55 = arith.constant 0 : index
    %swap3A_56 = vector.load %arg8[%swap3A_54, %swap3A_55] : memref<8x128xf32, #tpu.memory_space<vmem>>, vector<8x128xf32>
    tpu.vector_store %arg8[%swap3A_54, %swap3A_55], %add3A_53 {strides = array<i32>} : memref<8x128xf32, #tpu.memory_space<vmem>>, vector<8x128xf32>,
    return
  }
  func.func @transform_0(%arg0: i32) -> (i32, i32) {
    %c0_i32 = arith.constant 0 : i32
    %c0_i32_0 = arith.constant 0 : i32
    return %arg0, %c0_i32 : i32, i32
  }
  func.func @transform_1(%arg0: i32) -> (i32, i32) {
    %c0_i32 = arith.constant 0 : i32
    %c0_i32_0 = arith.constant 0 : i32
    %c0_i32_1 = arith.constant 0 : i32
    return %c0_i32, %c0_i32_0 : i32, i32
  }
  func.func @transform_2(%arg0: i32) -> (i32, i32) {
    %c0_i32 = arith.constant 0 : i32
    %c0_i32_0 = arith.constant 0 : i32
    %c0_i32_1 = arith.constant 0 : i32
    return %c0_i32, %c0_i32_0 : i32, i32
  }
  func.func @transform_3(%arg0: i32) -> (i32, i32) {
    %c0_i32 = arith.constant 0 : i32
    %c0_i32_0 = arith.constant 0 : i32
    %c0_i32_1 = arith.constant 0 : i32
    return %c0_i32, %c0_i32_0 : i32, i32
  }
  func.func @transform_4(%arg0: i32) -> (i32, i32) {
    %c0_i32 = arith.constant 0 : i32
    %c0_i32_0 = arith.constant 0 : i32
    %c0_i32_1 = arith.constant 0 : i32
    return %c0_i32, %c0_i32_0 : i32, i32
  }
  func.func @transform_5(%arg0: i32) -> (i32, i32) {
    %c0_i32 = arith.constant 0 : i32
    %c0_i32_0 = arith.constant 0 : i32
    %c0_i32_1 = arith.constant 0 : i32
    return %c0_i32, %c0_i32_0 : i32, i32
  }
  func.func @transform_6(%arg0: i32) -> (i32, i32) {
    %c0_i32 = arith.constant 0 : i32
    %c0_i32_0 = arith.constant 0 : i32
    return %arg0, %c0_i32 : i32, i32
  }
  func.func @transform_7(%arg0: i32) -> (i32, i32) {
    %c0_i32 = arith.constant 0 : i32
    %c0_i32_0 = arith.constant 0 : i32
    %c0_i32_1 = arith.constant 0 : i32
    return %c0_i32, %c0_i32_0 : i32, i32
  }
}

module attributes {stable_mosaic.version = 14 : i64} {
  func.func @_final_body(%arg0: i32, %arg1: memref<2048x128xf32, #tpu.memory_space<vmem>>, %arg2: memref<8x128xf32, #tpu.memory_space<vmem>>, %arg3: memref<1x128xf32, #tpu.memory_space<vmem>>, %arg4: memref<1x128xf32, #tpu.memory_space<vmem>>, %arg5: memref<2048x128xf32, #tpu.memory_space<vmem>>) attributes {dimension_semantics = [#tpu.dimension_semantics<arbitrary>], iteration_bounds = array<i64: 8>, scalar_prefetch = 0 : i64, scratch_operands = 0 : i64, tpu.core_type = #tpu.core_type<tc>, window_params = [{transform_indices = @transform_0, window_bounds = array<i64: 2048, 128>}, {pipeline_mode = #tpu.pipeline_mode<synchronous>, transform_indices = @transform_1, window_bounds = array<i64: 8, 128>}, {pipeline_mode = #tpu.pipeline_mode<synchronous>, transform_indices = @transform_2, window_bounds = array<i64: 1, 128>}, {pipeline_mode = #tpu.pipeline_mode<synchronous>, transform_indices = @transform_3, window_bounds = array<i64: 1, 128>}, {transform_indices = @transform_4, window_bounds = array<i64: 2048, 128>}]} {
    %get3A = arith.constant 0 : index
    %get3A_0 = arith.constant 0 : index
    %get3A_1 = vector.load %arg2[%get3A, %get3A_0] : memref<8x128xf32, #tpu.memory_space<vmem>>, vector<1x128xf32>
    %mul3A = arith.constant 6.10351563E-5 : f32
    %mul3A_2 = vector.broadcast %mul3A : f32 to vector<1x128xf32>
    %mul3A_3 = arith.mulf %get3A_1, %mul3A_2 : vector<1x128xf32>
    %get3A_4 = arith.constant 1 : index
    %get3A_5 = arith.constant 0 : index
    %get3A_6 = vector.load %arg2[%get3A_4, %get3A_5] : memref<8x128xf32, #tpu.memory_space<vmem>>, vector<1x128xf32>
    %mul3A_7 = arith.constant 6.10351563E-5 : f32
    %mul3A_8 = vector.broadcast %mul3A_7 : f32 to vector<1x128xf32>
    %mul3A_9 = arith.mulf %get3A_6, %mul3A_8 : vector<1x128xf32>
    %mul3A_10 = arith.mulf %mul3A_3, %mul3A_3 : vector<1x128xf32>
    %sub3A = arith.subf %mul3A_9, %mul3A_10 : vector<1x128xf32>
    %get3A_11 = arith.constant 0 : index
    %get3A_12 = arith.constant 0 : index
    %get3A_13 = vector.load %arg1[%get3A_11, %get3A_12] : memref<2048x128xf32, #tpu.memory_space<vmem>>, vector<2048x128xf32>
    %sub3A_14 = vector.broadcast %mul3A_3 : vector<1x128xf32> to vector<2048x128xf32>
    %sub3A_15 = arith.subf %get3A_13, %sub3A_14 : vector<2048x128xf32>
    %add3A = arith.constant 9.99999974E-6 : f32
    %add3A_16 = vector.broadcast %add3A : f32 to vector<1x128xf32>
    %add3A_17 = arith.addf %sub3A, %add3A_16 : vector<1x128xf32>
    %rsqrt3A = math.rsqrt %add3A_17 : vector<1x128xf32>
    %mul3A_18 = vector.broadcast %rsqrt3A : vector<1x128xf32> to vector<2048x128xf32>
    %mul3A_19 = arith.mulf %sub3A_15, %mul3A_18 : vector<2048x128xf32>
    %get3A_20 = arith.constant 0 : index
    %get3A_21 = arith.constant 0 : index
    %get3A_22 = vector.load %arg3[%get3A_20, %get3A_21] : memref<1x128xf32, #tpu.memory_space<vmem>>, vector<1x128xf32>
    %mul3A_23 = vector.broadcast %get3A_22 : vector<1x128xf32> to vector<2048x128xf32>
    %mul3A_24 = arith.mulf %mul3A_19, %mul3A_23 : vector<2048x128xf32>
    %get3A_25 = arith.constant 0 : index
    %get3A_26 = arith.constant 0 : index
    %get3A_27 = vector.load %arg4[%get3A_25, %get3A_26] : memref<1x128xf32, #tpu.memory_space<vmem>>, vector<1x128xf32>
    %add3A_28 = vector.broadcast %get3A_27 : vector<1x128xf32> to vector<2048x128xf32>
    %add3A_29 = arith.addf %mul3A_24, %add3A_28 : vector<2048x128xf32>
    %max3A = arith.constant 0.000000e+00 : f32
    %max3A_30 = vector.broadcast %max3A : f32 to vector<2048x128xf32>
    %max3A_31 = arith.maximumf %add3A_29, %max3A_30 : vector<2048x128xf32>
    %swap3A = arith.constant 0 : index
    %swap3A_32 = arith.constant 0 : index
    %swap3A_33 = vector.load %arg5[%swap3A, %swap3A_32] : memref<2048x128xf32, #tpu.memory_space<vmem>>, vector<2048x128xf32>
    tpu.vector_store %arg5[%swap3A, %swap3A_32], %max3A_31 {strides = array<i32>} : memref<2048x128xf32, #tpu.memory_space<vmem>>, vector<2048x128xf32>,
    return
  }
  func.func @transform_0(%arg0: i32) -> (i32, i32) {
    %c0_i32 = arith.constant 0 : i32
    %c0_i32_0 = arith.constant 0 : i32
    return %arg0, %c0_i32 : i32, i32
  }
  func.func @transform_1(%arg0: i32) -> (i32, i32) {
    %c0_i32 = arith.constant 0 : i32
    %c0_i32_0 = arith.constant 0 : i32
    %c0_i32_1 = arith.constant 0 : i32
    return %c0_i32, %c0_i32_0 : i32, i32
  }
  func.func @transform_2(%arg0: i32) -> (i32, i32) {
    %c0_i32 = arith.constant 0 : i32
    %c0_i32_0 = arith.constant 0 : i32
    %c0_i32_1 = arith.constant 0 : i32
    return %c0_i32, %c0_i32_0 : i32, i32
  }
  func.func @transform_3(%arg0: i32) -> (i32, i32) {
    %c0_i32 = arith.constant 0 : i32
    %c0_i32_0 = arith.constant 0 : i32
    %c0_i32_1 = arith.constant 0 : i32
    return %c0_i32, %c0_i32_0 : i32, i32
  }
  func.func @transform_4(%arg0: i32) -> (i32, i32) {
    %c0_i32 = arith.constant 0 : i32
    %c0_i32_0 = arith.constant 0 : i32
    return %arg0, %c0_i32 : i32, i32
  }
}

</mosaic_0001>

<sc_bundles>
// kernel: kernel.8.cloned.1.call-start
scs
__scs_entry_jumppad:
0x0: {  	(pc) =	sbr.rel $0x88, $3  }
0x1: {  	(tag) =	ssettag $0x0;
	lr =	simm.s32 $0x1  }
0x2: {  	[smem:$0x3F8A] =	sst lr;
	_ =	strace $0xD0000000  }
0x3: {  	_ = 	snop  }
0x4: {  	_ = 	snop  }
0x5: {  	_ = 	snop  }
0x6: {  	_ = 	snop  }
0x7: {  	_ = 	snop  }
__scs_overlays_trampoline_lowered:
0x8: {  	[smem:$0x3F99] =	sst s0  }
0x9: {  	[smem:$0x3F9A] =	sst s1  }
0xa: {  	[smem:$0x3F9B] =	sst s2  }
0xb: {  	[smem:$0x3F9C] =	sst s3  }
0xc: {  	[smem:$0x3F9D] =	sst s4  }
0xd: {  	[smem:$0x3F9E] =	sst s5  }
0xe: {  	[smem:$0x3F9F] =	sst s6  }
0xf: {  	[smem:$0x3FA0] =	sst s7  }
0x10: {  	[smem:$0x3FA1] =	sst s8  }
0x11: {  	[smem:$0x3FA2] =	sst s9;
	s0 =	simm.s32 @!p0 $0x0  }
0x12: {  	s1 =	sld [smem:$0x3F88];
	s0 =	simm.s32 @p0 $0x1  }
0x13: {  	[smem:$0x3FA3] =	sst s0;
	s0 =	simm.s32 @!p1 $0x0  }
0x14: {  	s2 =	sld [smem:$0x3F87];
	s0 =	simm.s32 @p1 $0x1  }
0x15: {  	[smem:$0x3FA4] =	sst s0;
	s0 =	simm.s32 @!p2 $0x0  }
0x16: {  	s3 =	sld [smem:$0x3FDB];
	s0 =	simm.s32 @p2 $0x1  }
0x17: {  	s4 =	simm.s32 $0x1BF5;
	[smem:$0x3FA6] =	sst s0  }
0x18: {  	s0 =	sld [smem:$0x3F89];
	_ =	swait.ge [sflag:s4], $0x0  }
0x19: {  	s7 =	sld [smem:$0x3F8A]  }
0x1a: {  	s8 =	sadd.s32 $0xFFFFE003, lr  }
0x1b: {  	s9 =	sadd.s32 $0xFFFFFEF7, lr;
	s5 =	simm.s32 $0xFFFFFFFF;
	p2 =	slt.u32 s8, $0xFFFFF086  }
0x1c: {  	p1 =	slt.u32 s9, $0xF7A;
	s5 =	simm.s32 @!p2 $0x0  }
0x1d: {  	s5 =	simm.s32 @p1 $0x1;
	p0 =	seq.s32 s7, s2  }
0x1e: {  	s7 =	smul.u32 @!p0 $0xF7A, s2;
	p2 =	seq.s32 @!p0 s5, $0x0  }
0x1f: {  	s9 =	smul.u32 $0xF7A, s1;
	s8 =	simm.s32 @!p0 $0x1BF5;
	p2 =	por !p2, p0  }
0x20: {  	[sflag:s8] =	ssyncset.s32 @!p0 $0xFFFFF086;
	s6 =	sadd.s32 @!p0 s3, s7;
	s7 =	simm.s32 @!p0 $0x108  }
0x21: {  	s3 =	sadd.s32 s3, s9;
	s6 =	sadd.s32 @!p0 $0x88, s6;
	s7 =	simm.s32 @p2 $0x1082  }
0x22: {  	[simem:s7], [sflag:s8] =	dma.local @!p0 [hbm:s6], $0xF7A  }
0x23: {  	s9 =	sor.u32 $0xD0000000, s2;
	s6 =	simm.s32 $0x108;
	_ =	swait.ge @!p0 [sflag:s8], $0x0  }
0x24: {  	s3 =	sadd.s32 $0x88, s3;
	s6 =	simm.s32 @!p1 $0x1082;
	[sflag:s4] =	ssyncset.s32 $0xFFFFF086  }
0x25: {  	[simem:s6], [sflag:s4] =	dma.local [hbm:s3], $0xF7A  }
0x26: {  	[smem:$0x3F8A] =	sst s1;
	(tag) =	ssettag s2;
	_ =	strace s9  }
0x27: {  	s1 =	sld [smem:$0x3F9A]  }
0x28: {  	s2 =	sld [smem:$0x3F9B]  }
0x29: {  	s4 =	sld [smem:$0x3F9D]  }
0x2a: {  	p0 =	seq.s32 s5, $0x0;
	s5 =	sld [smem:$0x3F9E]  }
0x2b: {  	s6 =	sld [smem:$0x3F9F]  }
0x2c: {  	s7 =	sld [smem:$0x3FA0]  }
0x2d: {  	s3 =	simm.s32 $0x108;
	s8 =	sld [smem:$0x3FA1]  }
0x2e: {  	s3 =	simm.s32 @!p0 $0x1082;
	s9 =	sld [smem:$0x3FA2]  }
0x2f: {  	lr =	sadd.s32 s0, s3;
	s0 =	sld [smem:$0x3F99]  }
0x30: {  	s3 =	sld [smem:$0x3F9C]  }
0x31: {  	[smem:$0x3FA5] =	sst s10  }
0x32: {  	s10 =	sld [smem:$0x3FA3];
	_ =	sdelay $0x3  }
0x33: {  	p0 =	seq.s32 s10, $0x1;
	s10 =	sld [smem:$0x3FA5];
	_ =	sdelay $0x3  }
0x34: {  	[smem:$0x3FA5] =	sst s10  }
0x35: {  	s10 =	sld [smem:$0x3FA4];
	_ =	sdelay $0x3  }
0x36: {  	p1 =	seq.s32 s10, $0x1;
	s10 =	sld [smem:$0x3FA5];
	_ =	sdelay $0x3  }
0x37: {  	[smem:$0x3FA5] =	sst s10  }
0x38: {  	s10 =	sld [smem:$0x3FA6]  }
0x39: {  	_ = 	snop;
	(pc) =	sbr.ind lr, $3  }
0x3a: {  	_ = 	snop  }
0x3b: {  	_ = 	snop  }
0x3c: {  	p2 =	seq.s32 s10, $0x1;
	s10 =	sld [smem:$0x3FA5]  }
0x3d: {  	_ =	shalt  }
0x3e: {  	_ =	shalt  }
0x3f: {  	_ =	shalt  }
0x40: {  	_ =	shalt  }
0x41: {  	_ =	shalt  }
0x42: {  	_ =	shalt  }
0x43: {  	_ =	shalt  }
0x44: {  	_ =	shalt  }
0x45: {  	_ =	shalt  }
0x46: {  	_ =	shalt  }
0x47: {  	_ =	shalt  }
0x48: {  	_ =	shalt  }
0x49: {  	_ =	shalt  }
0x4a: {  	_ =	shalt  }
0x4b: {  	_ =	shalt  }
0x4c: {  	_ =	shalt  }
0x4d: {  	_ =	shalt  }
0x4e: {  	_ =	shalt  }
0x4f: {  	_ =	shalt  }
0x50: {  	_ =	shalt  }
0x51: {  	_ =	shalt  }
0x52: {  	_ =	shalt  }
0x53: {  	_ =	shalt  }
0x54: {  	_ =	shalt  }
0x55: {  	_ =	shalt  }
0x56: {  	_ =	shalt  }
0x57: {  	_ =	shalt  }
0x58: {  	_ =	shalt  }
0x59: {  	_ =	shalt  }
0x5a: {  	_ =	shalt  }
0x5b: {  	_ =	shalt  }
0x5c: {  	_ =	shalt  }
0x5d: {  	_ =	shalt  }
0x5e: {  	_ =	shalt  }
0x5f: {  	_ =	shalt  }
0x60: {  	_ =	shalt  }
0x61: {  	_ =	shalt  }
0x62: {  	_ =	shalt  }
0x63: {  	_ =	shalt  }
0x64: {  	_ =	shalt  }
0x65: {  	_ =	shalt  }
0x66: {  	_ =	shalt  }
0x67: {  	_ =	shalt  }
0x68: {  	_ =	shalt  }
0x69: {  	_ =	shalt  }
0x6a: {  	_ =	shalt  }
0x6b: {  	_ =	shalt  }
0x6c: {  	_ =	shalt  }
0x6d: {  	_ =	shalt  }
0x6e: {  	_ =	shalt  }
0x6f: {  	_ =	shalt  }
0x70: {  	_ =	shalt  }
0x71: {  	_ =	shalt  }
0x72: {  	_ =	shalt  }
0x73: {  	_ =	shalt  }
0x74: {  	_ =	shalt  }
0x75: {  	_ =	shalt  }
0x76: {  	_ =	shalt  }
0x77: {  	_ =	shalt  }
0x78: {  	_ =	shalt  }
0x79: {  	_ =	shalt  }
0x7a: {  	_ =	shalt  }
0x7b: {  	_ =	shalt  }
0x7c: {  	_ =	shalt  }
0x7d: {  	_ =	shalt  }
0x7e: {  	_ =	shalt  }
0x7f: {  	_ =	shalt  }
0x80: {  	_ =	shalt  }
0x81: {  	_ =	shalt  }
0x82: {  	_ =	shalt  }
0x83: {  	_ =	shalt  }
0x84: {  	_ =	shalt  }
0x85: {  	_ =	shalt  }
0x86: {  	_ =	shalt  }
0x87: {  	_ =	shalt  }
.Lfunc_end0:
.L_simem_size_0:
called_computation_lowered:
.L_overlay_start_0:
0x88: {  	s2 =	sld [smem:$0x3FD9]  }
0x89: {  	s3 =	sld [smem:$0x3FFE];
	_ =	sdelay $0x1  }
0x8a: {  	s1 =	srdreg.scid  }
0x8b: {  	s0 =	sand.u32 $0x1, s1  }
0x8c: {  	s16 =	sshll.u32 s0, $0xA;
	s2 =	sadd.s32 s3, s2  }
0x8d: {  	s2 =	sadd.s32 s2, s16  }
0x8e: {  	[smem:$0x3FB1] =	sst s2  }
0x8f: {  	_ = 	snop  }
0x90: {  	(tm) =	ssettm $0x1  }
0x91: {  	s17 =	sld [smem:$0x3FFB];
	_ =	sdelay $0x3  }
0x92: {  	_ =	strace s17  }
0x93: {  	s2 =	sld [smem:$0x3FFC];
	_ =	sdelay $0x3  }
0x94: {  	_ =	strace s2  }
0x95: {  	s2 =	sld [smem:$0x3FFD];
	_ =	sdelay $0x3  }
0x96: {  	_ =	strace s2  }
0x97: {  	_ =	strace $0x8FFFFFFF  }
0x98: {  	s18 =	sld [smem:$0x3FDB];
	_ =	sdelay $0x1  }
0x99: {  	s19 =	simm.s32 $_scs_section_size  }
0x9a: {  	s4 =	simm.s32 $_size__tile_overlayer_lowered;
	s5 =	simm.s32 $_tile_overlayer_lowered  }
0x9b: {  	s22 =	simm.s32 $0x1BFF;
	s21 =	sshll.u32 s5, $0x1;
	s2 =	sadd.s32 s19, s18  }
0x9c: {  	s6 =	simm.s32 $0x0;
	s20 =	sshll.u32 s4, $0x1;
	s4 =	sadd.s32 s21, s2  }
0x9d: {  	[timem:s6], [sflag:s22] =	dma.local [hbm:s4], s20  }
0x9e: {  	_ =	swait.ge [sflag:s22], s20  }
0x9f: {  	s3 =	ssub.s32 $0x0, s20;
	[sflag:s22] =	ssyncset.done $0x0  }
0xa0: {  	[sflag:s22] =	ssyncadd.s32 s3;
	_ =	sdelay $0x1  }
0xa1: {  	s23 =	simm.s32 $0x1B8B  }
0xa2: {  	_ =	swait.ge [sflag:s23], $0x1  }
0xa3: {  	[sflag:s23] =	ssyncset.done $0x0  }
0xa4: {  	s25 =	simm.s32 $0x1B8E;
	s24 =	sld [smem:$0x3FFE];
	[sflag:s23] =	ssyncadd.s32 $0xFFFFFFFF  }
0xa5: {  	s26 =	simm.s32 $execute0_lowered;
	[smem:$0x3FD2] =	sst s25  }
0xa6: {  	s4 =	sshll.u32 s26, $0x1;
	_ =	strace $0x80000046;
	[dreg:$0x1] =	wrdreg $0xFFFFFFFF  }
0xa7: {  	s28 =	simm.s32 $_size_execute0_lowered;
	s2 =	sadd.s32 s2, s4;
	[dreg:$0x0] =	wrdreg $0x0  }
0xa8: {  	s4 =	sshll.u32 s28, $0x1;
	[dreg:$0x2] =	wrdreg s2  }
0xa9: {  	[dreg:$0x3] =	wrdreg s4  }
0xaa: {  	[dreg:$0x4] =	wrdreg $0xC0  }
0xab: {  	_ =	task [dreg:s6], $0x5FFFF  }
0xac: {  	[dreg:$0x1] =	wrdreg $0xFFFFFFFF  }
0xad: {  	[dreg:$0x0] =	wrdreg $0x60  }
0xae: {  	[dreg:$0x2] =	wrdreg s24  }
0xaf: {  	[dreg:$0x3] =	wrdreg $0x9  }
0xb0: {  	_ =	task.clear_ibuf [dreg:s6], $0x4FFFF;
	_ =	strace $0x90000046  }
0xb1: {  	s29 =	simm.s32 $0x9;
	_ =	strace $0x80000048  }
0xb2: {  	_ =	swait.ge [sflag:s29], $0x1  }
0xb3: {  	[sflag:s29] =	ssyncadd.s32 $0xFFFFFFFF  }
0xb4: {  	_ =	strace $0x90000048  }
0xb5: {  	_ =	sfence  }
0xb6: {  	s30 =	sld [smem:$0x0];
	_ =	sdelay $0x2  }
0xb7: {  	s31 =	sshll.u32 s1, $0xD;
	s1 =	sshrl.u32 s1, $0x2  }
0xb8: {  	s3 =	sand.u32 $0x4000, s31;
	s1 =	sadd.s32 s1, s30  }
0xb9: {  	s0 =	sor.u32 s3, s0;
	s1 =	sshll.u32 s1, $0x11  }
0xba: {  	s0 =	sor.u32 s1, s0  }
0xbb: {  	s0 =	sadd.s32 $0x8F2B, s0  }
0xbc: {  	[sflag:s0] =	ssyncadd.remote.s32 $0x1  }
0xbd: {  	_ =	sfence.sel $0xFFFF  }
0xbe: {  	[dreg:$0x0] =	wrdreg $0xFFFFFFFF;
	(pc) =	sbr.abs _section_cstart, $3  }
0xbf: {  	[dreg:$0x1] =	wrdreg $0xFFFFFFFF  }
0xc0: {  	_ =	task.clear_ibuf [dreg:s6], $0x2FFFF;
	_ =	strace $0x9FFFFFFF  }
0xc1: {  	(tm) =	ssettm $0x7FFFFFFF  }
tec
execute0_lowered:
.L_overlay_start_1:
0x0: {  	(tag) =	ssettag $0x1  }
0x1: {  	s0 =	srdreg.scid;
	s8 =	stileid.u32  }
0x2: {  	s1 =	rddreg [dreg:$0x0];
	s2 =	simm.s32 $0x0;
	s11 =	simm.s32 $0x6800  }
0x3: {  	s12 =	simm.s32 $0x7000;
	s9 =	simm.s32 $0x7800;
	s13 =	simm.s32 $0x8000  }
0x4: {  	s10 =	simm.s32 $0x8800;
	s16 =	simm.s32 $0x9000;
	s17 =	simm.s32 $0x9800  }
0x5: {  	s18 =	simm.s32 $0xA000;
	s19 =	simm.s32 $0xA800;
	s20 =	simm.s32 $0xB000  }
0x6: {  	s21 =	simm.s32 $0xB800;
	s22 =	simm.s32 $0xC000;
	s14 =	simm.s32 $0xE000  }
0x7: {  	s28 =	simm.s32 $0xE800;
	s29 =	simm.s32 $0xF000;
	s30 =	simm.s32 $0xF800  }
0x8: {  	s31 =	simm.s32 $0x10800;
	s15 =	simm.s32 $0x16000;
	s0 =	sand.u32 $0x1, s0  }
0x9: {  	s3 =	sshll.u32 s8, $0x1;
	[smem:$0x7FF] =	sst s2;
	s23 =	smul.u32 $0x180000, s8  }
0xa: {  	s4 =	sor.u32 s0, s3;
	s6 =	ssub.s32 $0x2, s0;
	s0 =	smul.u32 $0xC0000, s0  }
0xb: {  	s8 =	simm.s32 $0x0;
	_ =	strace $0x80000047;
	s5 =	smul.u32 $0x6000, s4  }
0xc: {  	s3 =	sadd.s32 $0x44000, s1;
	s4 =	smul.u32 $0x600000, s4;
	s7 =	sshrl.u32 s6, $0x1  }
0xd: {  	[dreg:$0x8] =	wrdreg s8;
	s6 =	ssub.s32 s6, s7;
	s7 =	simm.s32 $0x6  }
0xe: {  	s5 =	sshrl.u32 s5, $0x3;
	s4 =	sshrl.u32 s4, $0x3;
	s26 =	smax.u32 s6, $0x1  }
0xf: {  	s6 =	simm.s32 $0x5;
	s5 =	sadd.s32 s5, s1;
	s1 =	sadd.s32 $0xDC000, s1  }
0x10: {  	[dreg:$0x7] =	wrdreg s26;
	s5 =	sadd.s32 $0xC4000, s5;
	s4 =	sadd.s32 s1, s4  }
0x11: {  	s26 =	simm.s32 $0x6000;
	[dreg:$0x3] =	wrdreg s5;
	s24 =	sadd.s32 $0xBD000, s4  }
0x12: {  	s1 =	sadd.s32 s23, s1;
	s25 =	sadd.s32 $0xBE000, s4;
	[dreg:$0x4] =	wrdreg s24  }
0x13: {  	s23 =	simm.s32 $0xC800;
	s4 =	sadd.s32 $0xBF000, s4;
	[dreg:$0x5] =	wrdreg s25  }
0x14: {  	v2 =	vlaneseq.u32;
	s0 =	sadd.s32 s0, s1;
	s1 =	simm.s32 $0x1;
	[dreg:$0x6] =	wrdreg s4  }
0x15: {  	vm0 =	vmmov $0xffff;
	v1 =	vshrl.u32 v2, $0x3;
	s5 =	simm.s32 $0x4;
	[dreg:$0x2] =	wrdreg s0;
	s24 =	simm.s32 $0xD000  }
0x16: {  	v0 =	vand.u32 $0x7, v2;
	v2 =	vor.u32 $0x8, v2;
	v1 =	vmul.u32 $0x8, v1;
	s25 =	simm.s32 $0xD800;
	s0 =	simm.s32 $0x2;
	s4 =	simm.s32 $0x3  }
.LBB2_1:
0x17: {  	s8 =	rddreg [dreg:$0x3]  }
0x18: {  	[tilespmem:s2], [sflag:$0x7] =	stream.linear.gather [hbm4b:s8+s2], $0x6000, $0x38;
	[tilespmem:$0x1E000] =	vst v63  }
0x19: {  	s8 =	simm.s32 $0x7  }
0x1a: {  	_ =	swait.ge [sflag:s8], $0x6000  }
0x1b: {  	[sflag:s8] =	ssyncset.done $0x0  }
0x1c: {  	[sflag:s8] =	ssyncadd.s32 $0xFFFFA000  }
0x1d: {  	v3 =	vld [tilespmem:$0x0];
	_ =	sdelay $0x4  }
0x1e: {  	v4 =	vshll.u32 v3, $0x1  }
0x1f: {  	v3 =	vand.u32 $0x7, v3;
	v4 =	vand.u32 $0xFFFFFFF0, v4  }
0x20: {  	v3 =	vor.u32 v3, v4  }
0x21: {  	v4 =	vperm.xlane v3, v0;
	_ =	sdelay $0x1  }
0x22: {  	v3 =	vperm.xlane v3, v2;
	v4 =	vadd.s32 v1, v4;
	_ =	sdelay $0x1  }
0x23: {  	v3 =	vadd.s32 v1, v3;
	_ =	sdelay $0x2  }
0x24: {  	[tilespmem:s26], [sflag:$0x1] =	stream.indirect_vreg.gather [hbm4b:s3+s2], $0x80, v4, vm0, $0xb8;
	[tilespmem:$0x1E000] =	vst v63  }
0x25: {  	_ = 	snop  }
0x26: {  	[tilespmem:s11], [sflag:$0x1] =	stream.indirect_vreg.gather [hbm4b:s3+s2], $0x80, v3, vm0, $0xb8;
	[tilespmem:$0x1E000] =	vst v63  }
0x27: {  	v3 =	vld [tilespmem:$0x10];
	_ =	sdelay $0x4  }
0x28: {  	v41 =	vshll.u32 v3, $0x1  }
0x29: {  	v3 =	vand.u32 $0x7, v3;
	v4 =	vand.u32 $0xFFFFFFF0, v41  }
0x2a: {  	v3 =	vor.u32 v3, v4  }
0x2b: {  	v4 =	vperm.xlane v3, v0;
	_ =	sdelay $0x1  }
0x2c: {  	v3 =	vperm.xlane v3, v2;
	v4 =	vadd.s32 v1, v4;
	_ =	sdelay $0x1  }
0x2d: {  	v3 =	vadd.s32 v1, v3;
	_ =	sdelay $0x2  }
0x2e: {  	[tilespmem:s12], [sflag:$0x1] =	stream.indirect_vreg.gather [hbm4b:s3+s2], $0x80, v4, vm0, $0xb8;
	[tilespmem:$0x1E000] =	vst v63  }
0x2f: {  	_ = 	snop  }
0x30: {  	[tilespmem:s9], [sflag:$0x1] =	stream.indirect_vreg.gather [hbm4b:s3+s2], $0x80, v3, vm0, $0xb8;
	[tilespmem:$0x1E000] =	vst v63  }
0x31: {  	v3 =	vld [tilespmem:$0x20];
	_ =	sdelay $0x4  }
0x32: {  	v42 =	vshll.u32 v3, $0x1  }
0x33: {  	v3 =	vand.u32 $0x7, v3;
	v4 =	vand.u32 $0xFFFFFFF0, v42  }
0x34: {  	v3 =	vor.u32 v3, v4  }
0x35: {  	v4 =	vperm.xlane v3, v0;
	_ =	sdelay $0x1  }
0x36: {  	v3 =	vperm.xlane v3, v2;
	v4 =	vadd.s32 v1, v4;
	_ =	sdelay $0x1  }
0x37: {  	v3 =	vadd.s32 v1, v3;
	_ =	sdelay $0x2  }
0x38: {  	[tilespmem:s13], [sflag:$0x1] =	stream.indirect_vreg.gather [hbm4b:s3+s2], $0x80, v4, vm0, $0xb8;
	[tilespmem:$0x1E000] =	vst v63  }
0x39: {  	_ = 	snop  }
0x3a: {  	[tilespmem:s10], [sflag:$0x1] =	stream.indirect_vreg.gather [hbm4b:s3+s2], $0x80, v3, vm0, $0xb8;
	[tilespmem:$0x1E000] =	vst v63  }
0x3b: {  	v3 =	vld [tilespmem:$0x30];
	_ =	sdelay $0x4  }
0x3c: {  	v43 =	vshll.u32 v3, $0x1  }
0x3d: {  	v3 =	vand.u32 $0x7, v3;
	v4 =	vand.u32 $0xFFFFFFF0, v43  }
0x3e: {  	v3 =	vor.u32 v3, v4  }
0x3f: {  	v4 =	vperm.xlane v3, v0;
	_ =	sdelay $0x1  }
0x40: {  	v3 =	vperm.xlane v3, v2;
	v4 =	vadd.s32 v1, v4;
	_ =	sdelay $0x1  }
0x41: {  	v3 =	vadd.s32 v1, v3;
	_ =	sdelay $0x2  }
0x42: {  	[tilespmem:s16], [sflag:$0x1] =	stream.indirect_vreg.gather [hbm4b:s3+s2], $0x80, v4, vm0, $0xb8;
	[tilespmem:$0x1E000] =	vst v63  }
0x43: {  	_ = 	snop  }
0x44: {  	[tilespmem:s17], [sflag:$0x1] =	stream.indirect_vreg.gather [hbm4b:s3+s2], $0x80, v3, vm0, $0xb8;
	[tilespmem:$0x1E000] =	vst v63  }
0x45: {  	v3 =	vld [tilespmem:$0x40];
	_ =	sdelay $0x4  }
0x46: {  	v44 =	vshll.u32 v3, $0x1  }
0x47: {  	v3 =	vand.u32 $0x7, v3;
	v4 =	vand.u32 $0xFFFFFFF0, v44  }
0x48: {  	v3 =	vor.u32 v3, v4  }
0x49: {  	v4 =	vperm.xlane v3, v0;
	_ =	sdelay $0x1  }
0x4a: {  	v3 =	vperm.xlane v3, v2;
	v4 =	vadd.s32 v1, v4;
	_ =	sdelay $0x1  }
0x4b: {  	v3 =	vadd.s32 v1, v3;
	_ =	sdelay $0x2  }
0x4c: {  	[tilespmem:s18], [sflag:$0x1] =	stream.indirect_vreg.gather [hbm4b:s3+s2], $0x80, v4, vm0, $0xb8;
	[tilespmem:$0x1E000] =	vst v63  }
0x4d: {  	_ = 	snop  }
0x4e: {  	[tilespmem:s19], [sflag:$0x1] =	stream.indirect_vreg.gather [hbm4b:s3+s2], $0x80, v3, vm0, $0xb8;
	[tilespmem:$0x1E000] =	vst v63  }
0x4f: {  	v3 =	vld [tilespmem:$0x50];
	_ =	sdelay $0x4  }
0x50: {  	v45 =	vshll.u32 v3, $0x1  }
0x51: {  	v3 =	vand.u32 $0x7, v3;
	v4 =	vand.u32 $0xFFFFFFF0, v45  }
0x52: {  	v3 =	vor.u32 v3, v4  }
0x53: {  	v4 =	vperm.xlane v3, v0;
	_ =	sdelay $0x1  }
0x54: {  	v3 =	vperm.xlane v3, v2;
	v4 =	vadd.s32 v1, v4;
	_ =	sdelay $0x1  }
0x55: {  	v3 =	vadd.s32 v1, v3;
	_ =	sdelay $0x2  }
0x56: {  	[tilespmem:s20], [sflag:$0x1] =	stream.indirect_vreg.gather [hbm4b:s3+s2], $0x80, v4, vm0, $0xb8;
	[tilespmem:$0x1E000] =	vst v63  }
0x57: {  	_ = 	snop  }
0x58: {  	[tilespmem:s21], [sflag:$0x1] =	stream.indirect_vreg.gather [hbm4b:s3+s2], $0x80, v3, vm0, $0xb8;
	[tilespmem:$0x1E000] =	vst v63  }
0x59: {  	v3 =	vld [tilespmem:$0x60];
	_ =	sdelay $0x4  }
0x5a: {  	v46 =	vshll.u32 v3, $0x1  }
0x5b: {  	v3 =	vand.u32 $0x7, v3;
	v4 =	vand.u32 $0xFFFFFFF0, v46  }
0x5c: {  	v3 =	vor.u32 v3, v4  }
0x5d: {  	v4 =	vperm.xlane v3, v0;
	_ =	sdelay $0x1  }
0x5e: {  	v3 =	vperm.xlane v3, v2;
	v4 =	vadd.s32 v1, v4;
	_ =	sdelay $0x1  }
0x5f: {  	v3 =	vadd.s32 v1, v3;
	_ =	sdelay $0x2  }
0x60: {  	[tilespmem:s22], [sflag:$0x1] =	stream.indirect_vreg.gather [hbm4b:s3+s2], $0x80, v4, vm0, $0xb8;
	[tilespmem:$0x1E000] =	vst v63  }
0x61: {  	_ = 	snop  }
0x62: {  	[tilespmem:s23], [sflag:$0x1] =	stream.indirect_vreg.gather [hbm4b:s3+s2], $0x80, v3, vm0, $0xb8;
	[tilespmem:$0x1E000] =	vst v63  }
0x63: {  	v3 =	vld [tilespmem:$0x70];
	_ =	sdelay $0x4  }
0x64: {  	v47 =	vshll.u32 v3, $0x1  }
0x65: {  	v3 =	vand.u32 $0x7, v3;
	v4 =	vand.u32 $0xFFFFFFF0, v47  }
0x66: {  	v3 =	vor.u32 v3, v4  }
0x67: {  	v4 =	vperm.xlane v3, v0;
	_ =	sdelay $0x1  }
0x68: {  	v3 =	vperm.xlane v3, v2;
	v4 =	vadd.s32 v1, v4;
	_ =	sdelay $0x1  }
0x69: {  	v3 =	vadd.s32 v1, v3;
	_ =	sdelay $0x2  }
0x6a: {  	[tilespmem:s24], [sflag:$0x1] =	stream.indirect_vreg.gather [hbm4b:s3+s2], $0x80, v4, vm0, $0xb8;
	[tilespmem:$0x1E000] =	vst v63  }
0x6b: {  	_ = 	snop  }
0x6c: {  	[tilespmem:s25], [sflag:$0x1] =	stream.indirect_vreg.gather [hbm4b:s3+s2], $0x80, v3, vm0, $0xb8;
	[tilespmem:$0x1E000] =	vst v63  }
0x6d: {  	v3 =	vld [tilespmem:$0x80];
	_ =	sdelay $0x4  }
0x6e: {  	v48 =	vshll.u32 v3, $0x1  }
0x6f: {  	v3 =	vand.u32 $0x7, v3;
	v4 =	vand.u32 $0xFFFFFFF0, v48  }
0x70: {  	v3 =	vor.u32 v3, v4  }
0x71: {  	v4 =	vperm.xlane v3, v0;
	_ =	sdelay $0x1  }
0x72: {  	v3 =	vperm.xlane v3, v2;
	v4 =	vadd.s32 v1, v4;
	_ =	sdelay $0x1  }
0x73: {  	v3 =	vadd.s32 v1, v3;
	_ =	sdelay $0x2  }
0x74: {  	[tilespmem:s14], [sflag:$0x2] =	stream.indirect_vreg.gather [hbm4b:s3+s2], $0x80, v4, vm0, $0xb8;
	[tilespmem:$0x1E000] =	vst v63  }
0x75: {  	_ = 	snop  }
0x76: {  	[tilespmem:s28], [sflag:$0x2] =	stream.indirect_vreg.gather [hbm4b:s3+s2], $0x80, v3, vm0, $0xb8;
	[tilespmem:$0x1E000] =	vst v63  }
0x77: {  	v3 =	vld [tilespmem:$0x90];
	_ =	sdelay $0x4  }
0x78: {  	v49 =	vshll.u32 v3, $0x1  }
0x79: {  	v3 =	vand.u32 $0x7, v3;
	v4 =	vand.u32 $0xFFFFFFF0, v49  }
0x7a: {  	v3 =	vor.u32 v3, v4  }
0x7b: {  	v4 =	vperm.xlane v3, v0;
	_ =	sdelay $0x1  }
0x7c: {  	v3 =	vperm.xlane v3, v2;
	v4 =	vadd.s32 v1, v4;
	_ =	sdelay $0x1  }
0x7d: {  	v3 =	vadd.s32 v1, v3;
	_ =	sdelay $0x2  }
0x7e: {  	[tilespmem:s29], [sflag:$0x2] =	stream.indirect_vreg.gather [hbm4b:s3+s2], $0x80, v4, vm0, $0xb8;
	[tilespmem:$0x1E000] =	vst v63  }
0x7f: {  	_ = 	snop  }
0x80: {  	[tilespmem:s30], [sflag:$0x2] =	stream.indirect_vreg.gather [hbm4b:s3+s2], $0x80, v3, vm0, $0xb8;
	[tilespmem:$0x1E000] =	vst v63  }
0x81: {  	v3 =	vld [tilespmem:$0xA0];
	_ =	sdelay $0x4  }
0x82: {  	v50 =	vshll.u32 v3, $0x1  }
0x83: {  	v3 =	vand.u32 $0x7, v3;
	v4 =	vand.u32 $0xFFFFFFF0, v50  }
0x84: {  	v3 =	vor.u32 v3, v4  }
0x85: {  	v4 =	vperm.xlane v3, v0;
	_ =	sdelay $0x1  }
0x86: {  	v3 =	vperm.xlane v3, v2;
	v4 =	vadd.s32 v1, v4;
	_ =	sdelay $0x1  }
0x87: {  	v3 =	vadd.s32 v1, v3;
	_ =	sdelay $0x1  }
0x88: {  	s21 =	simm.s32 $0x10000  }
0x89: {  	[tilespmem:s21], [sflag:$0x2] =	stream.indirect_vreg.gather [hbm4b:s3+s2], $0x80, v4, vm0, $0xb8;
	[tilespmem:$0x1E000] =	vst v63  }
0x8a: {  	_ = 	snop  }
0x8b: {  	[tilespmem:s31], [sflag:$0x2] =	stream.indirect_vreg.gather [hbm4b:s3+s2], $0x80, v3, vm0, $0xb8;
	[tilespmem:$0x1E000] =	vst v63  }
0x8c: {  	v3 =	vld [tilespmem:$0xB0];
	_ =	sdelay $0x4  }
0x8d: {  	v51 =	vshll.u32 v3, $0x1  }
0x8e: {  	v3 =	vand.u32 $0x7, v3;
	v4 =	vand.u32 $0xFFFFFFF0, v51  }
0x8f: {  	v3 =	vor.u32 v3, v4  }
0x90: {  	v4 =	vperm.xlane v3, v0;
	_ =	sdelay $0x1  }
0x91: {  	v3 =	vperm.xlane v3, v2;
	v4 =	vadd.s32 v1, v4;
	_ =	sdelay $0x1  }
0x92: {  	v3 =	vadd.s32 v1, v3;
	_ =	sdelay $0x1  }
0x93: {  	s22 =	simm.s32 $0x11000  }
0x94: {  	[tilespmem:s22], [sflag:$0x2] =	stream.indirect_vreg.gather [hbm4b:s3+s2], $0x80, v4, vm0, $0xb8;
	[tilespmem:$0x1E000] =	vst v63  }
0x95: {  	s23 =	simm.s32 $0x11800  }
0x96: {  	[tilespmem:s23], [sflag:$0x2] =	stream.indirect_vreg.gather [hbm4b:s3+s2], $0x80, v3, vm0, $0xb8;
	[tilespmem:$0x1E000] =	vst v63  }
0x97: {  	v3 =	vld [tilespmem:$0xC0];
	_ =	sdelay $0x4  }
0x98: {  	v52 =	vshll.u32 v3, $0x1  }
0x99: {  	v3 =	vand.u32 $0x7, v3;
	v4 =	vand.u32 $0xFFFFFFF0, v52  }
0x9a: {  	v3 =	vor.u32 v3, v4  }
0x9b: {  	v4 =	vperm.xlane v3, v0;
	_ =	sdelay $0x1  }
0x9c: {  	v3 =	vperm.xlane v3, v2;
	v4 =	vadd.s32 v1, v4;
	_ =	sdelay $0x1  }
0x9d: {  	v3 =	vadd.s32 v1, v3;
	_ =	sdelay $0x1  }
0x9e: {  	s24 =	simm.s32 $0x12000  }
0x9f: {  	[tilespmem:s24], [sflag:$0x2] =	stream.indirect_vreg.gather [hbm4b:s3+s2], $0x80, v4, vm0, $0xb8;
	[tilespmem:$0x1E000] =	vst v63  }
0xa0: {  	s25 =	simm.s32 $0x12800  }
0xa1: {  	[tilespmem:s25], [sflag:$0x2] =	stream.indirect_vreg.gather [hbm4b:s3+s2], $0x80, v3, vm0, $0xb8;
	[tilespmem:$0x1E000] =	vst v63  }
0xa2: {  	v3 =	vld [tilespmem:$0xD0];
	_ =	sdelay $0x4  }
0xa3: {  	v53 =	vshll.u32 v3, $0x1  }
0xa4: {  	v3 =	vand.u32 $0x7, v3;
	v4 =	vand.u32 $0xFFFFFFF0, v53  }
0xa5: {  	v3 =	vor.u32 v3, v4  }
0xa6: {  	v4 =	vperm.xlane v3, v0;
	_ =	sdelay $0x1  }
0xa7: {  	v3 =	vperm.xlane v3, v2;
	v4 =	vadd.s32 v1, v4;
	_ =	sdelay $0x1  }
0xa8: {  	v3 =	vadd.s32 v1, v3;
	_ =	sdelay $0x1  }
0xa9: {  	s26 =	simm.s32 $0x13000  }
0xaa: {  	[tilespmem:s26], [sflag:$0x2] =	stream.indirect_vreg.gather [hbm4b:s3+s2], $0x80, v4, vm0, $0xb8;
	[tilespmem:$0x1E000] =	vst v63  }
0xab: {  	s9 =	simm.s32 $0x13800  }
0xac: {  	[tilespmem:s9], [sflag:$0x2] =	stream.indirect_vreg.gather [hbm4b:s3+s2], $0x80, v3, vm0, $0xb8;
	[tilespmem:$0x1E000] =	vst v63  }
0xad: {  	v3 =	vld [tilespmem:$0xE0];
	_ =	sdelay $0x4  }
0xae: {  	v54 =	vshll.u32 v3, $0x1  }
0xaf: {  	v3 =	vand.u32 $0x7, v3;
	v4 =	vand.u32 $0xFFFFFFF0, v54  }
0xb0: {  	v3 =	vor.u32 v3, v4  }
0xb1: {  	v4 =	vperm.xlane v3, v0;
	_ =	sdelay $0x1  }
0xb2: {  	v3 =	vperm.xlane v3, v2;
	v4 =	vadd.s32 v1, v4;
	_ =	sdelay $0x1  }
0xb3: {  	v3 =	vadd.s32 v1, v3;
	_ =	sdelay $0x1  }
0xb4: {  	s10 =	simm.s32 $0x14000  }
0xb5: {  	[tilespmem:s10], [sflag:$0x2] =	stream.indirect_vreg.gather [hbm4b:s3+s2], $0x80, v4, vm0, $0xb8;
	[tilespmem:$0x1E000] =	vst v63  }
0xb6: {  	s11 =	simm.s32 $0x14800  }
0xb7: {  	[tilespmem:s11], [sflag:$0x2] =	stream.indirect_vreg.gather [hbm4b:s3+s2], $0x80, v3, vm0, $0xb8;
	[tilespmem:$0x1E000] =	vst v63  }
0xb8: {  	v3 =	vld [tilespmem:$0xF0];
	_ =	sdelay $0x4  }
0xb9: {  	v55 =	vshll.u32 v3, $0x1  }
0xba: {  	v3 =	vand.u32 $0x7, v3;
	v4 =	vand.u32 $0xFFFFFFF0, v55  }
0xbb: {  	v3 =	vor.u32 v3, v4  }
0xbc: {  	v4 =	vperm.xlane v3, v0;
	_ =	sdelay $0x1  }
0xbd: {  	v3 =	vperm.xlane v3, v2;
	v4 =	vadd.s32 v1, v4;
	_ =	sdelay $0x1  }
0xbe: {  	v3 =	vadd.s32 v1, v3;
	_ =	sdelay $0x1  }
0xbf: {  	s12 =	simm.s32 $0x15000  }
0xc0: {  	[tilespmem:s12], [sflag:$0x2] =	stream.indirect_vreg.gather [hbm4b:s3+s2], $0x80, v4, vm0, $0xb8;
	[tilespmem:$0x1E000] =	vst v63  }
0xc1: {  	s13 =	simm.s32 $0x15800  }
0xc2: {  	[tilespmem:s13], [sflag:$0x2] =	stream.indirect_vreg.gather [hbm4b:s3+s2], $0x80, v3, vm0, $0xb8;
	[tilespmem:$0x1E000] =	vst v63  }
0xc3: {  	v3 =	vld [tilespmem:$0x100];
	_ =	sdelay $0x4  }
0xc4: {  	v56 =	vshll.u32 v3, $0x1  }
0xc5: {  	v3 =	vand.u32 $0x7, v3;
	v4 =	vand.u32 $0xFFFFFFF0, v56  }
0xc6: {  	v3 =	vor.u32 v3, v4  }
0xc7: {  	v4 =	vperm.xlane v3, v0;
	_ =	sdelay $0x1  }
0xc8: {  	v3 =	vperm.xlane v3, v2;
	v4 =	vadd.s32 v1, v4;
	_ =	sdelay $0x1  }
0xc9: {  	v3 =	vadd.s32 v1, v3;
	_ =	sdelay $0x2  }
0xca: {  	[tilespmem:s15], [sflag:$0x3] =	stream.indirect_vreg.gather [hbm4b:s3+s2], $0x80, v4, vm0, $0xb8;
	[tilespmem:$0x1E000] =	vst v63  }
0xcb: {  	s14 =	simm.s32 $0x16800  }
0xcc: {  	[tilespmem:s14], [sflag:$0x3] =	stream.indirect_vreg.gather [hbm4b:s3+s2], $0x80, v3, vm0, $0xb8;
	[tilespmem:$0x1E000] =	vst v63  }
0xcd: {  	v3 =	vld [tilespmem:$0x110];
	_ =	sdelay $0x4  }
0xce: {  	v57 =	vshll.u32 v3, $0x1  }
0xcf: {  	v3 =	vand.u32 $0x7, v3;
	v4 =	vand.u32 $0xFFFFFFF0, v57  }
0xd0: {  	v3 =	vor.u32 v3, v4  }
0xd1: {  	v4 =	vperm.xlane v3, v0;
	_ =	sdelay $0x1  }
0xd2: {  	v3 =	vperm.xlane v3, v2;
	v4 =	vadd.s32 v1, v4;
	_ =	sdelay $0x1  }
0xd3: {  	v3 =	vadd.s32 v1, v3;
	_ =	sdelay $0x1  }
0xd4: {  	s15 =	simm.s32 $0x17000  }
0xd5: {  	[tilespmem:s15], [sflag:$0x3] =	stream.indirect_vreg.gather [hbm4b:s3+s2], $0x80, v4, vm0, $0xb8;
	[tilespmem:$0x1E000] =	vst v63  }
0xd6: {  	s16 =	simm.s32 $0x17800  }
0xd7: {  	[tilespmem:s16], [sflag:$0x3] =	stream.indirect_vreg.gather [hbm4b:s3+s2], $0x80, v3, vm0, $0xb8;
	[tilespmem:$0x1E000] =	vst v63  }
0xd8: {  	v3 =	vld [tilespmem:$0x120];
	_ =	sdelay $0x4  }
0xd9: {  	v58 =	vshll.u32 v3, $0x1  }
0xda: {  	v3 =	vand.u32 $0x7, v3;
	v4 =	vand.u32 $0xFFFFFFF0, v58  }
0xdb: {  	v3 =	vor.u32 v3, v4  }
0xdc: {  	v4 =	vperm.xlane v3, v0;
	_ =	sdelay $0x1  }
0xdd: {  	v3 =	vperm.xlane v3, v2;
	v4 =	vadd.s32 v1, v4;
	_ =	sdelay $0x1  }
0xde: {  	v3 =	vadd.s32 v1, v3;
	_ =	sdelay $0x1  }
0xdf: {  	s17 =	simm.s32 $0x18000  }
0xe0: {  	[tilespmem:s17], [sflag:$0x3] =	stream.indirect_vreg.gather [hbm4b:s3+s2], $0x80, v4, vm0, $0xb8;
	[tilespmem:$0x1E000] =	vst v63  }
0xe1: {  	s18 =	simm.s32 $0x18800  }
0xe2: {  	[tilespmem:s18], [sflag:$0x3] =	stream.indirect_vreg.gather [hbm4b:s3+s2], $0x80, v3, vm0, $0xb8;
	[tilespmem:$0x1E000] =	vst v63  }
0xe3: {  	v3 =	vld [tilespmem:$0x130];
	_ =	sdelay $0x4  }
0xe4: {  	v59 =	vshll.u32 v3, $0x1  }
0xe5: {  	v3 =	vand.u32 $0x7, v3;
	v4 =	vand.u32 $0xFFFFFFF0, v59  }
0xe6: {  	v3 =	vor.u32 v3, v4  }
0xe7: {  	v4 =	vperm.xlane v3, v0;
	_ =	sdelay $0x1  }
0xe8: {  	v3 =	vperm.xlane v3, v2;
	v4 =	vadd.s32 v1, v4;
	_ =	sdelay $0x1  }
0xe9: {  	v3 =	vadd.s32 v1, v3;
	_ =	sdelay $0x1  }
0xea: {  	s19 =	simm.s32 $0x19000  }
0xeb: {  	[tilespmem:s19], [sflag:$0x3] =	stream.indirect_vreg.gather [hbm4b:s3+s2], $0x80, v4, vm0, $0xb8;
	[tilespmem:$0x1E000] =	vst v63  }
0xec: {  	s20 =	simm.s32 $0x19800  }
0xed: {  	[tilespmem:s20], [sflag:$0x3] =	stream.indirect_vreg.gather [hbm4b:s3+s2], $0x80, v3, vm0, $0xb8;
	[tilespmem:$0x1E000] =	vst v63  }
0xee: {  	v3 =	vld [tilespmem:$0x140];
	_ =	sdelay $0x4  }
0xef: {  	v60 =	vshll.u32 v3, $0x1  }
0xf0: {  	v3 =	vand.u32 $0x7, v3;
	v4 =	vand.u32 $0xFFFFFFF0, v60  }
0xf1: {  	v3 =	vor.u32 v3, v4  }
0xf2: {  	v4 =	vperm.xlane v3, v0;
	_ =	sdelay $0x1  }
0xf3: {  	v3 =	vperm.xlane v3, v2;
	v4 =	vadd.s32 v1, v4;
	_ =	sdelay $0x1  }
0xf4: {  	v3 =	vadd.s32 v1, v3;
	_ =	sdelay $0x1  }
0xf5: {  	s21 =	simm.s32 $0x1A000  }
0xf6: {  	[tilespmem:s21], [sflag:$0x3] =	stream.indirect_vreg.gather [hbm4b:s3+s2], $0x80, v4, vm0, $0xb8;
	[tilespmem:$0x1E000] =	vst v63  }
0xf7: {  	s22 =	simm.s32 $0x1A800  }
0xf8: {  	[tilespmem:s22], [sflag:$0x3] =	stream.indirect_vreg.gather [hbm4b:s3+s2], $0x80, v3, vm0, $0xb8;
	[tilespmem:$0x1E000] =	vst v63  }
0xf9: {  	v3 =	vld [tilespmem:$0x150];
	_ =	sdelay $0x4  }
0xfa: {  	v61 =	vshll.u32 v3, $0x1  }
0xfb: {  	v3 =	vand.u32 $0x7, v3;
	v4 =	vand.u32 $0xFFFFFFF0, v61  }
0xfc: {  	v3 =	vor.u32 v3, v4  }
0xfd: {  	v4 =	vperm.xlane v3, v0;
	_ =	sdelay $0x1  }
0xfe: {  	v3 =	vperm.xlane v3, v2;
	v4 =	vadd.s32 v1, v4;
	_ =	sdelay $0x1  }
0xff: {  	v3 =	vadd.s32 v1, v3;
	_ =	sdelay $0x1  }
0x100: {  	s23 =	simm.s32 $0x1B000  }
0x101: {  	[tilespmem:s23], [sflag:$0x3] =	stream.indirect_vreg.gather [hbm4b:s3+s2], $0x80, v4, vm0, $0xb8;
	[tilespmem:$0x1E000] =	vst v63  }
0x102: {  	s24 =	simm.s32 $0x1B800  }
0x103: {  	[tilespmem:s24], [sflag:$0x3] =	stream.indirect_vreg.gather [hbm4b:s3+s2], $0x80, v3, vm0, $0xb8;
	[tilespmem:$0x1E000] =	vst v63  }
0x104: {  	v3 =	vld [tilespmem:$0x160];
	_ =	sdelay $0x4  }
0x105: {  	v62 =	vshll.u32 v3, $0x1  }
0x106: {  	v3 =	vand.u32 $0x7, v3;
	v4 =	vand.u32 $0xFFFFFFF0, v62  }
0x107: {  	v3 =	vor.u32 v3, v4  }
0x108: {  	v4 =	vperm.xlane v3, v0;
	_ =	sdelay $0x1  }
0x109: {  	v3 =	vperm.xlane v3, v2;
	v4 =	vadd.s32 v1, v4;
	_ =	sdelay $0x1  }
0x10a: {  	v3 =	vadd.s32 v1, v3;
	_ =	sdelay $0x1  }
0x10b: {  	s25 =	simm.s32 $0x1C000  }
0x10c: {  	[tilespmem:s25], [sflag:$0x3] =	stream.indirect_vreg.gather [hbm4b:s3+s2], $0x80, v4, vm0, $0xb8;
	[tilespmem:$0x1E000] =	vst v63  }
0x10d: {  	s26 =	simm.s32 $0x1C800  }
0x10e: {  	[tilespmem:s26], [sflag:$0x3] =	stream.indirect_vreg.gather [hbm4b:s3+s2], $0x80, v3, vm0, $0xb8;
	[tilespmem:$0x1E000] =	vst v63  }
0x10f: {  	v3 =	vld [tilespmem:$0x170];
	_ =	sdelay $0x4  }
0x110: {  	v63 =	vshll.u32 v3, $0x1  }
0x111: {  	v3 =	vand.u32 $0x7, v3;
	v4 =	vand.u32 $0xFFFFFFF0, v63  }
0x112: {  	v3 =	vor.u32 v3, v4  }
0x113: {  	v4 =	vperm.xlane v3, v0;
	_ =	sdelay $0x1  }
0x114: {  	s8 =	simm.s32 $0x2F0;
	s28 =	simm.s32 $0xD800;
	v3 =	vperm.xlane v3, v2;
	v4 =	vadd.s32 v1, v4  }
0x115: {  	s29 =	simm.s32 $0xE800;
	s30 =	simm.s32 $0xF000;
	s31 =	simm.s32 $0xF800  }
0x116: {  	s9 =	simm.s32 $0x0;
	s10 =	simm.s32 $0x10000;
	s13 =	simm.s32 $0x7800;
	v3 =	vadd.s32 v1, v3  }
0x117: {  	s16 =	simm.s32 $0x8800;
	s17 =	simm.s32 $0x10800;
	s18 =	simm.s32 $0x9800  }
0x118: {  	s20 =	simm.s32 $0xA800;
	s21 =	simm.s32 $0x1D000;
	s22 =	simm.s32 $0xB800  }
0x119: {  	[tilespmem:s21], [sflag:$0x3] =	stream.indirect_vreg.gather [hbm4b:s3+s2], $0x80, v4, vm0, $0xb8;
	[tilespmem:$0x1E000] =	vst v63  }
0x11a: {  	s23 =	simm.s32 $0x1D800;
	s24 =	simm.s32 $0xC800;
	s25 =	simm.s32 $0xD000  }
0x11b: {  	[tilespmem:s23], [sflag:$0x3] =	stream.indirect_vreg.gather [hbm4b:s3+s2], $0x80, v3, vm0, $0xb8;
	[tilespmem:$0x1E000] =	vst v63  }
.LBB2_2:
0x11c: {  	_ =	swait.ge [sflag:s1], $0x8000  }
0x11d: {  	s11 =	rddreg [dreg:$0x2];
	[sflag:s1] =	ssyncset.done $0x0  }
0x11e: {  	s14 =	simm.s32 $0x6000;
	[sflag:s1] =	ssyncadd.s32 $0xFFFF8000;
	s11 =	sadd.s32 s9, s11  }
0x11f: {  	[hbm4b:s11+s2] =	stream.linear.scatter [tilespmem:s14], [sflag:$0x4], $0x8000, $0x38;
	[tilespmem:$0x1E000] =	vst v63  }
0x120: {  	_ =	swait.ge [sflag:s0], $0x8000  }
0x121: {  	[sflag:s0] =	ssyncset.done $0x0  }
0x122: {  	s15 =	simm.s32 $0xE000;
	s12 =	sadd.s32 $0x1000, s11;
	[sflag:s0] =	ssyncadd.s32 $0xFFFF8000  }
0x123: {  	[hbm4b:s12+s2] =	stream.linear.scatter [tilespmem:s15], [sflag:$0x5], $0x8000, $0x38;
	[tilespmem:$0x1E000] =	vst v63  }
0x124: {  	_ =	swait.ge [sflag:s4], $0x8000  }
0x125: {  	[sflag:s4] =	ssyncset.done $0x0  }
0x126: {  	s19 =	simm.s32 $0x16000;
	s11 =	sadd.s32 $0x2000, s11;
	[sflag:s4] =	ssyncadd.s32 $0xFFFF8000  }
0x127: {  	[hbm4b:s11+s2] =	stream.linear.scatter [tilespmem:s19], [sflag:$0x6], $0x8000, $0x38;
	[tilespmem:$0x1E000] =	vst v63  }
0x128: {  	_ =	swait.ge [sflag:s5], $0x8000  }
0x129: {  	[sflag:s5] =	ssyncset.done $0x0  }
0x12a: {  	[sflag:s5] =	ssyncadd.s32 $0xFFFF8000  }
0x12b: {  	v3 =	vld [tilespmem:s8+$0xFFFFFE90];
	_ =	sdelay $0x4  }
0x12c: {  	v4 =	vshll.u32 v3, $0x1  }
0x12d: {  	v3 =	vand.u32 $0x7, v3;
	v4 =	vand.u32 $0xFFFFFFF0, v4  }
0x12e: {  	v3 =	vor.u32 v3, v4  }
0x12f: {  	v4 =	vperm.xlane v3, v0;
	_ =	sdelay $0x1  }
0x130: {  	v3 =	vperm.xlane v3, v2;
	v4 =	vadd.s32 v1, v4;
	_ =	sdelay $0x1  }
0x131: {  	v3 =	vadd.s32 v1, v3;
	_ =	sdelay $0x2  }
0x132: {  	[tilespmem:s14], [sflag:$0x1] =	stream.indirect_vreg.gather [hbm4b:s3+s2], $0x80, v4, vm0, $0xb8;
	[tilespmem:$0x1E000] =	vst v63  }
0x133: {  	s11 =	simm.s32 $0x6800  }
0x134: {  	[tilespmem:s11], [sflag:$0x1] =	stream.indirect_vreg.gather [hbm4b:s3+s2], $0x80, v3, vm0, $0xb8;
	[tilespmem:$0x1E000] =	vst v63  }
0x135: {  	v3 =	vld [tilespmem:s8+$0xFFFFFEA0];
	_ =	sdelay $0x4  }
0x136: {  	v41 =	vshll.u32 v3, $0x1  }
0x137: {  	v3 =	vand.u32 $0x7, v3;
	v4 =	vand.u32 $0xFFFFFFF0, v41  }
0x138: {  	v3 =	vor.u32 v3, v4  }
0x139: {  	v4 =	vperm.xlane v3, v0;
	_ =	sdelay $0x1  }
0x13a: {  	v3 =	vperm.xlane v3, v2;
	v4 =	vadd.s32 v1, v4;
	_ =	sdelay $0x1  }
0x13b: {  	v3 =	vadd.s32 v1, v3;
	_ =	sdelay $0x1  }
0x13c: {  	s12 =	simm.s32 $0x7000  }
0x13d: {  	[tilespmem:s12], [sflag:$0x1] =	stream.indirect_vreg.gather [hbm4b:s3+s2], $0x80, v4, vm0, $0xb8;
	[tilespmem:$0x1E000] =	vst v63  }
0x13e: {  	_ = 	snop  }
0x13f: {  	[tilespmem:s13], [sflag:$0x1] =	stream.indirect_vreg.gather [hbm4b:s3+s2], $0x80, v3, vm0, $0xb8;
	[tilespmem:$0x1E000] =	vst v63  }
0x140: {  	v3 =	vld [tilespmem:s8+$0xFFFFFEB0];
	_ =	sdelay $0x4  }
0x141: {  	v42 =	vshll.u32 v3, $0x1  }
0x142: {  	v3 =	vand.u32 $0x7, v3;
	v4 =	vand.u32 $0xFFFFFFF0, v42  }
0x143: {  	v3 =	vor.u32 v3, v4  }
0x144: {  	v4 =	vperm.xlane v3, v0;
	_ =	sdelay $0x1  }
0x145: {  	v3 =	vperm.xlane v3, v2;
	v4 =	vadd.s32 v1, v4;
	_ =	sdelay $0x1  }
0x146: {  	v3 =	vadd.s32 v1, v3;
	_ =	sdelay $0x1  }
0x147: {  	s14 =	simm.s32 $0x8000  }
0x148: {  	[tilespmem:s14], [sflag:$0x1] =	stream.indirect_vreg.gather [hbm4b:s3+s2], $0x80, v4, vm0, $0xb8;
	[tilespmem:$0x1E000] =	vst v63  }
0x149: {  	_ = 	snop  }
0x14a: {  	[tilespmem:s16], [sflag:$0x1] =	stream.indirect_vreg.gather [hbm4b:s3+s2], $0x80, v3, vm0, $0xb8;
	[tilespmem:$0x1E000] =	vst v63  }
0x14b: {  	v3 =	vld [tilespmem:s8+$0xFFFFFEC0];
	_ =	sdelay $0x4  }
0x14c: {  	v43 =	vshll.u32 v3, $0x1  }
0x14d: {  	v3 =	vand.u32 $0x7, v3;
	v4 =	vand.u32 $0xFFFFFFF0, v43  }
0x14e: {  	v3 =	vor.u32 v3, v4  }
0x14f: {  	v4 =	vperm.xlane v3, v0;
	_ =	sdelay $0x1  }
0x150: {  	v3 =	vperm.xlane v3, v2;
	v4 =	vadd.s32 v1, v4;
	_ =	sdelay $0x1  }
0x151: {  	v3 =	vadd.s32 v1, v3;
	_ =	sdelay $0x1  }
0x152: {  	s14 =	simm.s32 $0x9000  }
0x153: {  	[tilespmem:s14], [sflag:$0x1] =	stream.indirect_vreg.gather [hbm4b:s3+s2], $0x80, v4, vm0, $0xb8;
	[tilespmem:$0x1E000] =	vst v63  }
0x154: {  	_ = 	snop  }
0x155: {  	[tilespmem:s18], [sflag:$0x1] =	stream.indirect_vreg.gather [hbm4b:s3+s2], $0x80, v3, vm0, $0xb8;
	[tilespmem:$0x1E000] =	vst v63  }
0x156: {  	v3 =	vld [tilespmem:s8+$0xFFFFFED0];
	_ =	sdelay $0x4  }
0x157: {  	v44 =	vshll.u32 v3, $0x1  }
0x158: {  	v3 =	vand.u32 $0x7, v3;
	v4 =	vand.u32 $0xFFFFFFF0, v44  }
0x159: {  	v3 =	vor.u32 v3, v4  }
0x15a: {  	v4 =	vperm.xlane v3, v0;
	_ =	sdelay $0x1  }
0x15b: {  	v3 =	vperm.xlane v3, v2;
	v4 =	vadd.s32 v1, v4;
	_ =	sdelay $0x1  }
0x15c: {  	v3 =	vadd.s32 v1, v3;
	_ =	sdelay $0x1  }
0x15d: {  	s14 =	simm.s32 $0xA000  }
0x15e: {  	[tilespmem:s14], [sflag:$0x1] =	stream.indirect_vreg.gather [hbm4b:s3+s2], $0x80, v4, vm0, $0xb8;
	[tilespmem:$0x1E000] =	vst v63  }
0x15f: {  	_ = 	snop  }
0x160: {  	[tilespmem:s20], [sflag:$0x1] =	stream.indirect_vreg.gather [hbm4b:s3+s2], $0x80, v3, vm0, $0xb8;
	[tilespmem:$0x1E000] =	vst v63  }
0x161: {  	v3 =	vld [tilespmem:s8+$0xFFFFFEE0];
	_ =	sdelay $0x4  }
0x162: {  	v45 =	vshll.u32 v3, $0x1  }
0x163: {  	v3 =	vand.u32 $0x7, v3;
	v4 =	vand.u32 $0xFFFFFFF0, v45  }
0x164: {  	v3 =	vor.u32 v3, v4  }
0x165: {  	v4 =	vperm.xlane v3, v0;
	_ =	sdelay $0x1  }
0x166: {  	v3 =	vperm.xlane v3, v2;
	v4 =	vadd.s32 v1, v4;
	_ =	sdelay $0x1  }
0x167: {  	v3 =	vadd.s32 v1, v3;
	_ =	sdelay $0x1  }
0x168: {  	s14 =	simm.s32 $0xB000  }
0x169: {  	[tilespmem:s14], [sflag:$0x1] =	stream.indirect_vreg.gather [hbm4b:s3+s2], $0x80, v4, vm0, $0xb8;
	[tilespmem:$0x1E000] =	vst v63  }
0x16a: {  	_ = 	snop  }
0x16b: {  	[tilespmem:s22], [sflag:$0x1] =	stream.indirect_vreg.gather [hbm4b:s3+s2], $0x80, v3, vm0, $0xb8;
	[tilespmem:$0x1E000] =	vst v63  }
0x16c: {  	v3 =	vld [tilespmem:s8+$0xFFFFFEF0];
	_ =	sdelay $0x4  }
0x16d: {  	v46 =	vshll.u32 v3, $0x1  }
0x16e: {  	v3 =	vand.u32 $0x7, v3;
	v4 =	vand.u32 $0xFFFFFFF0, v46  }
0x16f: {  	v3 =	vor.u32 v3, v4  }
0x170: {  	v4 =	vperm.xlane v3, v0;
	_ =	sdelay $0x1  }
0x171: {  	v3 =	vperm.xlane v3, v2;
	v4 =	vadd.s32 v1, v4;
	_ =	sdelay $0x1  }
0x172: {  	v3 =	vadd.s32 v1, v3;
	_ =	sdelay $0x1  }
0x173: {  	s14 =	simm.s32 $0xC000  }
0x174: {  	[tilespmem:s14], [sflag:$0x1] =	stream.indirect_vreg.gather [hbm4b:s3+s2], $0x80, v4, vm0, $0xb8;
	[tilespmem:$0x1E000] =	vst v63  }
0x175: {  	_ = 	snop  }
0x176: {  	[tilespmem:s24], [sflag:$0x1] =	stream.indirect_vreg.gather [hbm4b:s3+s2], $0x80, v3, vm0, $0xb8;
	[tilespmem:$0x1E000] =	vst v63  }
0x177: {  	v3 =	vld [tilespmem:s8+$0xFFFFFF00];
	_ =	sdelay $0x4  }
0x178: {  	v47 =	vshll.u32 v3, $0x1  }
0x179: {  	v3 =	vand.u32 $0x7, v3;
	v4 =	vand.u32 $0xFFFFFFF0, v47  }
0x17a: {  	v3 =	vor.u32 v3, v4  }
0x17b: {  	v4 =	vperm.xlane v3, v0;
	_ =	sdelay $0x1  }
0x17c: {  	v3 =	vperm.xlane v3, v2;
	v4 =	vadd.s32 v1, v4;
	_ =	sdelay $0x1  }
0x17d: {  	v3 =	vadd.s32 v1, v3;
	_ =	sdelay $0x2  }
0x17e: {  	[tilespmem:s25], [sflag:$0x1] =	stream.indirect_vreg.gather [hbm4b:s3+s2], $0x80, v4, vm0, $0xb8;
	[tilespmem:$0x1E000] =	vst v63  }
0x17f: {  	_ = 	snop  }
0x180: {  	[tilespmem:s28], [sflag:$0x1] =	stream.indirect_vreg.gather [hbm4b:s3+s2], $0x80, v3, vm0, $0xb8;
	[tilespmem:$0x1E000] =	vst v63  }
0x181: {  	_ =	swait.ge [sflag:s6], $0x8000  }
0x182: {  	[sflag:s6] =	ssyncset.done $0x0  }
0x183: {  	[sflag:s6] =	ssyncadd.s32 $0xFFFF8000  }
0x184: {  	v3 =	vld [tilespmem:s8+$0xFFFFFF10];
	_ =	sdelay $0x4  }
0x185: {  	v48 =	vshll.u32 v3, $0x1  }
0x186: {  	v3 =	vand.u32 $0x7, v3;
	v4 =	vand.u32 $0xFFFFFFF0, v48  }
0x187: {  	v3 =	vor.u32 v3, v4  }
0x188: {  	v4 =	vperm.xlane v3, v0;
	_ =	sdelay $0x1  }
0x189: {  	v3 =	vperm.xlane v3, v2;
	v4 =	vadd.s32 v1, v4;
	_ =	sdelay $0x1  }
0x18a: {  	v3 =	vadd.s32 v1, v3;
	_ =	sdelay $0x2  }
0x18b: {  	[tilespmem:s15], [sflag:$0x2] =	stream.indirect_vreg.gather [hbm4b:s3+s2], $0x80, v4, vm0, $0xb8;
	[tilespmem:$0x1E000] =	vst v63  }
0x18c: {  	_ = 	snop  }
0x18d: {  	[tilespmem:s29], [sflag:$0x2] =	stream.indirect_vreg.gather [hbm4b:s3+s2], $0x80, v3, vm0, $0xb8;
	[tilespmem:$0x1E000] =	vst v63  }
0x18e: {  	v3 =	vld [tilespmem:s8+$0xFFFFFF20];
	_ =	sdelay $0x4  }
0x18f: {  	v49 =	vshll.u32 v3, $0x1  }
0x190: {  	v3 =	vand.u32 $0x7, v3;
	v4 =	vand.u32 $0xFFFFFFF0, v49  }
0x191: {  	v3 =	vor.u32 v3, v4  }
0x192: {  	v4 =	vperm.xlane v3, v0;
	_ =	sdelay $0x1  }
0x193: {  	v3 =	vperm.xlane v3, v2;
	v4 =	vadd.s32 v1, v4;
	_ =	sdelay $0x1  }
0x194: {  	v3 =	vadd.s32 v1, v3;
	_ =	sdelay $0x2  }
0x195: {  	[tilespmem:s30], [sflag:$0x2] =	stream.indirect_vreg.gather [hbm4b:s3+s2], $0x80, v4, vm0, $0xb8;
	[tilespmem:$0x1E000] =	vst v63  }
0x196: {  	_ = 	snop  }
0x197: {  	[tilespmem:s31], [sflag:$0x2] =	stream.indirect_vreg.gather [hbm4b:s3+s2], $0x80, v3, vm0, $0xb8;
	[tilespmem:$0x1E000] =	vst v63  }
0x198: {  	v3 =	vld [tilespmem:s8+$0xFFFFFF30];
	_ =	sdelay $0x4  }
0x199: {  	v50 =	vshll.u32 v3, $0x1  }
0x19a: {  	v3 =	vand.u32 $0x7, v3;
	v4 =	vand.u32 $0xFFFFFFF0, v50  }
0x19b: {  	v3 =	vor.u32 v3, v4  }
0x19c: {  	v4 =	vperm.xlane v3, v0;
	_ =	sdelay $0x1  }
0x19d: {  	v3 =	vperm.xlane v3, v2;
	v4 =	vadd.s32 v1, v4;
	_ =	sdelay $0x1  }
0x19e: {  	v3 =	vadd.s32 v1, v3;
	_ =	sdelay $0x2  }
0x19f: {  	[tilespmem:s10], [sflag:$0x2] =	stream.indirect_vreg.gather [hbm4b:s3+s2], $0x80, v4, vm0, $0xb8;
	[tilespmem:$0x1E000] =	vst v63  }
0x1a0: {  	_ = 	snop  }
0x1a1: {  	[tilespmem:s17], [sflag:$0x2] =	stream.indirect_vreg.gather [hbm4b:s3+s2], $0x80, v3, vm0, $0xb8;
	[tilespmem:$0x1E000] =	vst v63  }
0x1a2: {  	v3 =	vld [tilespmem:s8+$0xFFFFFF40];
	_ =	sdelay $0x4  }
0x1a3: {  	v51 =	vshll.u32 v3, $0x1  }
0x1a4: {  	v3 =	vand.u32 $0x7, v3;
	v4 =	vand.u32 $0xFFFFFFF0, v51  }
0x1a5: {  	v3 =	vor.u32 v3, v4  }
0x1a6: {  	v4 =	vperm.xlane v3, v0;
	_ =	sdelay $0x1  }
0x1a7: {  	v3 =	vperm.xlane v3, v2;
	v4 =	vadd.s32 v1, v4;
	_ =	sdelay $0x1  }
0x1a8: {  	v3 =	vadd.s32 v1, v3;
	_ =	sdelay $0x1  }
0x1a9: {  	s15 =	simm.s32 $0x11000  }
0x1aa: {  	[tilespmem:s15], [sflag:$0x2] =	stream.indirect_vreg.gather [hbm4b:s3+s2], $0x80, v4, vm0, $0xb8;
	[tilespmem:$0x1E000] =	vst v63  }
0x1ab: {  	s15 =	simm.s32 $0x11800  }
0x1ac: {  	[tilespmem:s15], [sflag:$0x2] =	stream.indirect_vreg.gather [hbm4b:s3+s2], $0x80, v3, vm0, $0xb8;
	[tilespmem:$0x1E000] =	vst v63  }
0x1ad: {  	v3 =	vld [tilespmem:s8+$0xFFFFFF50];
	_ =	sdelay $0x4  }
0x1ae: {  	v52 =	vshll.u32 v3, $0x1  }
0x1af: {  	v3 =	vand.u32 $0x7, v3;
	v4 =	vand.u32 $0xFFFFFFF0, v52  }
0x1b0: {  	v3 =	vor.u32 v3, v4  }
0x1b1: {  	v4 =	vperm.xlane v3, v0;
	_ =	sdelay $0x1  }
0x1b2: {  	v3 =	vperm.xlane v3, v2;
	v4 =	vadd.s32 v1, v4;
	_ =	sdelay $0x1  }
0x1b3: {  	v3 =	vadd.s32 v1, v3;
	_ =	sdelay $0x1  }
0x1b4: {  	s15 =	simm.s32 $0x12000  }
0x1b5: {  	[tilespmem:s15], [sflag:$0x2] =	stream.indirect_vreg.gather [hbm4b:s3+s2], $0x80, v4, vm0, $0xb8;
	[tilespmem:$0x1E000] =	vst v63  }
0x1b6: {  	s15 =	simm.s32 $0x12800  }
0x1b7: {  	[tilespmem:s15], [sflag:$0x2] =	stream.indirect_vreg.gather [hbm4b:s3+s2], $0x80, v3, vm0, $0xb8;
	[tilespmem:$0x1E000] =	vst v63  }
0x1b8: {  	v3 =	vld [tilespmem:s8+$0xFFFFFF60];
	_ =	sdelay $0x4  }
0x1b9: {  	v53 =	vshll.u32 v3, $0x1  }
0x1ba: {  	v3 =	vand.u32 $0x7, v3;
	v4 =	vand.u32 $0xFFFFFFF0, v53  }
0x1bb: {  	v3 =	vor.u32 v3, v4  }
0x1bc: {  	v4 =	vperm.xlane v3, v0;
	_ =	sdelay $0x1  }
0x1bd: {  	v3 =	vperm.xlane v3, v2;
	v4 =	vadd.s32 v1, v4;
	_ =	sdelay $0x1  }
0x1be: {  	v3 =	vadd.s32 v1, v3;
	_ =	sdelay $0x1  }
0x1bf: {  	s15 =	simm.s32 $0x13000  }
0x1c0: {  	[tilespmem:s15], [sflag:$0x2] =	stream.indirect_vreg.gather [hbm4b:s3+s2], $0x80, v4, vm0, $0xb8;
	[tilespmem:$0x1E000] =	vst v63  }
0x1c1: {  	s15 =	simm.s32 $0x13800  }
0x1c2: {  	[tilespmem:s15], [sflag:$0x2] =	stream.indirect_vreg.gather [hbm4b:s3+s2], $0x80, v3, vm0, $0xb8;
	[tilespmem:$0x1E000] =	vst v63  }
0x1c3: {  	v3 =	vld [tilespmem:s8+$0xFFFFFF70];
	_ =	sdelay $0x4  }
0x1c4: {  	v54 =	vshll.u32 v3, $0x1  }
0x1c5: {  	v3 =	vand.u32 $0x7, v3;
	v4 =	vand.u32 $0xFFFFFFF0, v54  }
0x1c6: {  	v3 =	vor.u32 v3, v4  }
0x1c7: {  	v4 =	vperm.xlane v3, v0;
	_ =	sdelay $0x1  }
0x1c8: {  	v3 =	vperm.xlane v3, v2;
	v4 =	vadd.s32 v1, v4;
	_ =	sdelay $0x1  }
0x1c9: {  	v3 =	vadd.s32 v1, v3;
	_ =	sdelay $0x1  }
0x1ca: {  	s15 =	simm.s32 $0x14000  }
0x1cb: {  	[tilespmem:s15], [sflag:$0x2] =	stream.indirect_vreg.gather [hbm4b:s3+s2], $0x80, v4, vm0, $0xb8;
	[tilespmem:$0x1E000] =	vst v63  }
0x1cc: {  	s15 =	simm.s32 $0x14800  }
0x1cd: {  	[tilespmem:s15], [sflag:$0x2] =	stream.indirect_vreg.gather [hbm4b:s3+s2], $0x80, v3, vm0, $0xb8;
	[tilespmem:$0x1E000] =	vst v63  }
0x1ce: {  	v3 =	vld [tilespmem:s8+$0xFFFFFF80];
	_ =	sdelay $0x4  }
0x1cf: {  	v55 =	vshll.u32 v3, $0x1  }
0x1d0: {  	v3 =	vand.u32 $0x7, v3;
	v4 =	vand.u32 $0xFFFFFFF0, v55  }
0x1d1: {  	v3 =	vor.u32 v3, v4  }
0x1d2: {  	v4 =	vperm.xlane v3, v0;
	_ =	sdelay $0x1  }
0x1d3: {  	v3 =	vperm.xlane v3, v2;
	v4 =	vadd.s32 v1, v4;
	_ =	sdelay $0x1  }
0x1d4: {  	v3 =	vadd.s32 v1, v3;
	_ =	sdelay $0x1  }
0x1d5: {  	s15 =	simm.s32 $0x15000  }
0x1d6: {  	[tilespmem:s15], [sflag:$0x2] =	stream.indirect_vreg.gather [hbm4b:s3+s2], $0x80, v4, vm0, $0xb8;
	[tilespmem:$0x1E000] =	vst v63  }
0x1d7: {  	s15 =	simm.s32 $0x15800  }
0x1d8: {  	[tilespmem:s15], [sflag:$0x2] =	stream.indirect_vreg.gather [hbm4b:s3+s2], $0x80, v3, vm0, $0xb8;
	[tilespmem:$0x1E000] =	vst v63  }
0x1d9: {  	_ =	swait.ge [sflag:s7], $0x8000  }
0x1da: {  	[sflag:s7] =	ssyncset.done $0x0  }
0x1db: {  	[sflag:s7] =	ssyncadd.s32 $0xFFFF8000  }
0x1dc: {  	v3 =	vld [tilespmem:s8+$0xFFFFFF90];
	_ =	sdelay $0x4  }
0x1dd: {  	v56 =	vshll.u32 v3, $0x1  }
0x1de: {  	v3 =	vand.u32 $0x7, v3;
	v4 =	vand.u32 $0xFFFFFFF0, v56  }
0x1df: {  	v3 =	vor.u32 v3, v4  }
0x1e0: {  	v4 =	vperm.xlane v3, v0;
	_ =	sdelay $0x1  }
0x1e1: {  	v3 =	vperm.xlane v3, v2;
	v4 =	vadd.s32 v1, v4;
	_ =	sdelay $0x1  }
0x1e2: {  	v3 =	vadd.s32 v1, v3;
	_ =	sdelay $0x2  }
0x1e3: {  	[tilespmem:s19], [sflag:$0x3] =	stream.indirect_vreg.gather [hbm4b:s3+s2], $0x80, v4, vm0, $0xb8;
	[tilespmem:$0x1E000] =	vst v63  }
0x1e4: {  	s19 =	simm.s32 $0x16800  }
0x1e5: {  	[tilespmem:s19], [sflag:$0x3] =	stream.indirect_vreg.gather [hbm4b:s3+s2], $0x80, v3, vm0, $0xb8;
	[tilespmem:$0x1E000] =	vst v63  }
0x1e6: {  	v3 =	vld [tilespmem:s8+$0xFFFFFFA0];
	_ =	sdelay $0x4  }
0x1e7: {  	v57 =	vshll.u32 v3, $0x1  }
0x1e8: {  	v3 =	vand.u32 $0x7, v3;
	v4 =	vand.u32 $0xFFFFFFF0, v57  }
0x1e9: {  	v3 =	vor.u32 v3, v4  }
0x1ea: {  	v4 =	vperm.xlane v3, v0;
	_ =	sdelay $0x1  }
0x1eb: {  	v3 =	vperm.xlane v3, v2;
	v4 =	vadd.s32 v1, v4;
	_ =	sdelay $0x1  }
0x1ec: {  	v3 =	vadd.s32 v1, v3;
	_ =	sdelay $0x1  }
0x1ed: {  	s19 =	simm.s32 $0x17000  }
0x1ee: {  	[tilespmem:s19], [sflag:$0x3] =	stream.indirect_vreg.gather [hbm4b:s3+s2], $0x80, v4, vm0, $0xb8;
	[tilespmem:$0x1E000] =	vst v63  }
0x1ef: {  	s19 =	simm.s32 $0x17800  }
0x1f0: {  	[tilespmem:s19], [sflag:$0x3] =	stream.indirect_vreg.gather [hbm4b:s3+s2], $0x80, v3, vm0, $0xb8;
	[tilespmem:$0x1E000] =	vst v63  }
0x1f1: {  	v3 =	vld [tilespmem:s8+$0xFFFFFFB0];
	_ =	sdelay $0x4  }
0x1f2: {  	v58 =	vshll.u32 v3, $0x1  }
0x1f3: {  	v3 =	vand.u32 $0x7, v3;
	v4 =	vand.u32 $0xFFFFFFF0, v58  }
0x1f4: {  	v3 =	vor.u32 v3, v4  }
0x1f5: {  	v4 =	vperm.xlane v3, v0;
	_ =	sdelay $0x1  }
0x1f6: {  	v3 =	vperm.xlane v3, v2;
	v4 =	vadd.s32 v1, v4;
	_ =	sdelay $0x1  }
0x1f7: {  	v3 =	vadd.s32 v1, v3;
	_ =	sdelay $0x1  }
0x1f8: {  	s19 =	simm.s32 $0x18000  }
0x1f9: {  	[tilespmem:s19], [sflag:$0x3] =	stream.indirect_vreg.gather [hbm4b:s3+s2], $0x80, v4, vm0, $0xb8;
	[tilespmem:$0x1E000] =	vst v63  }
0x1fa: {  	s19 =	simm.s32 $0x18800  }
0x1fb: {  	[tilespmem:s19], [sflag:$0x3] =	stream.indirect_vreg.gather [hbm4b:s3+s2], $0x80, v3, vm0, $0xb8;
	[tilespmem:$0x1E000] =	vst v63  }
0x1fc: {  	v3 =	vld [tilespmem:s8+$0xFFFFFFC0];
	_ =	sdelay $0x4  }
0x1fd: {  	v59 =	vshll.u32 v3, $0x1  }
0x1fe: {  	v3 =	vand.u32 $0x7, v3;
	v4 =	vand.u32 $0xFFFFFFF0, v59  }
0x1ff: {  	v3 =	vor.u32 v3, v4  }
0x200: {  	v4 =	vperm.xlane v3, v0;
	_ =	sdelay $0x1  }
0x201: {  	v3 =	vperm.xlane v3, v2;
	v4 =	vadd.s32 v1, v4;
	_ =	sdelay $0x1  }
0x202: {  	v3 =	vadd.s32 v1, v3;
	_ =	sdelay $0x1  }
0x203: {  	s19 =	simm.s32 $0x19000  }
0x204: {  	[tilespmem:s19], [sflag:$0x3] =	stream.indirect_vreg.gather [hbm4b:s3+s2], $0x80, v4, vm0, $0xb8;
	[tilespmem:$0x1E000] =	vst v63  }
0x205: {  	s19 =	simm.s32 $0x19800  }
0x206: {  	[tilespmem:s19], [sflag:$0x3] =	stream.indirect_vreg.gather [hbm4b:s3+s2], $0x80, v3, vm0, $0xb8;
	[tilespmem:$0x1E000] =	vst v63  }
0x207: {  	v3 =	vld [tilespmem:s8+$0xFFFFFFD0];
	_ =	sdelay $0x4  }
0x208: {  	v60 =	vshll.u32 v3, $0x1  }
0x209: {  	v3 =	vand.u32 $0x7, v3;
	v4 =	vand.u32 $0xFFFFFFF0, v60  }
0x20a: {  	v3 =	vor.u32 v3, v4  }
0x20b: {  	v4 =	vperm.xlane v3, v0;
	_ =	sdelay $0x1  }
0x20c: {  	v3 =	vperm.xlane v3, v2;
	v4 =	vadd.s32 v1, v4;
	_ =	sdelay $0x1  }
0x20d: {  	v3 =	vadd.s32 v1, v3;
	_ =	sdelay $0x1  }
0x20e: {  	s19 =	simm.s32 $0x1A000  }
0x20f: {  	[tilespmem:s19], [sflag:$0x3] =	stream.indirect_vreg.gather [hbm4b:s3+s2], $0x80, v4, vm0, $0xb8;
	[tilespmem:$0x1E000] =	vst v63  }
0x210: {  	s19 =	simm.s32 $0x1A800  }
0x211: {  	[tilespmem:s19], [sflag:$0x3] =	stream.indirect_vreg.gather [hbm4b:s3+s2], $0x80, v3, vm0, $0xb8;
	[tilespmem:$0x1E000] =	vst v63  }
0x212: {  	v3 =	vld [tilespmem:s8+$0xFFFFFFE0];
	_ =	sdelay $0x4  }
0x213: {  	v61 =	vshll.u32 v3, $0x1  }
0x214: {  	v3 =	vand.u32 $0x7, v3;
	v4 =	vand.u32 $0xFFFFFFF0, v61  }
0x215: {  	v3 =	vor.u32 v3, v4  }
0x216: {  	v4 =	vperm.xlane v3, v0;
	_ =	sdelay $0x1  }
0x217: {  	v3 =	vperm.xlane v3, v2;
	v4 =	vadd.s32 v1, v4;
	_ =	sdelay $0x1  }
0x218: {  	v3 =	vadd.s32 v1, v3;
	_ =	sdelay $0x1  }
0x219: {  	s19 =	simm.s32 $0x1B000  }
0x21a: {  	[tilespmem:s19], [sflag:$0x3] =	stream.indirect_vreg.gather [hbm4b:s3+s2], $0x80, v4, vm0, $0xb8;
	[tilespmem:$0x1E000] =	vst v63  }
0x21b: {  	s19 =	simm.s32 $0x1B800  }
0x21c: {  	[tilespmem:s19], [sflag:$0x3] =	stream.indirect_vreg.gather [hbm4b:s3+s2], $0x80, v3, vm0, $0xb8;
	[tilespmem:$0x1E000] =	vst v63  }
0x21d: {  	v3 =	vld [tilespmem:s8+$0xFFFFFFF0];
	_ =	sdelay $0x4  }
0x21e: {  	v62 =	vshll.u32 v3, $0x1  }
0x21f: {  	v3 =	vand.u32 $0x7, v3;
	v4 =	vand.u32 $0xFFFFFFF0, v62  }
0x220: {  	v3 =	vor.u32 v3, v4  }
0x221: {  	v4 =	vperm.xlane v3, v0;
	_ =	sdelay $0x1  }
0x222: {  	v3 =	vperm.xlane v3, v2;
	v4 =	vadd.s32 v1, v4;
	_ =	sdelay $0x1  }
0x223: {  	v3 =	vadd.s32 v1, v3;
	_ =	sdelay $0x1  }
0x224: {  	s19 =	simm.s32 $0x1C000  }
0x225: {  	[tilespmem:s19], [sflag:$0x3] =	stream.indirect_vreg.gather [hbm4b:s3+s2], $0x80, v4, vm0, $0xb8;
	[tilespmem:$0x1E000] =	vst v63  }
0x226: {  	s19 =	simm.s32 $0x1C800  }
0x227: {  	[tilespmem:s19], [sflag:$0x3] =	stream.indirect_vreg.gather [hbm4b:s3+s2], $0x80, v3, vm0, $0xb8;
	[tilespmem:$0x1E000] =	vst v63  }
0x228: {  	v3 =	vld [tilespmem:s8+$0x0];
	_ =	sdelay $0x4  }
0x229: {  	v63 =	vshll.u32 v3, $0x1  }
0x22a: {  	v3 =	vand.u32 $0x7, v3;
	v4 =	vand.u32 $0xFFFFFFF0, v63  }
0x22b: {  	v3 =	vor.u32 v3, v4  }
0x22c: {  	v4 =	vperm.xlane v3, v0;
	_ =	sdelay $0x1  }
0x22d: {  	v3 =	vperm.xlane v3, v2;
	v4 =	vadd.s32 v1, v4;
	_ =	sdelay $0x1  }
0x22e: {  	p0 =	sne.s32 s9, $0xBA000;
	v3 =	vadd.s32 v1, v3  }
.Ltmp0:
0x22f: {  	_ = 	snop;
	(pc) =	sbr.rel @p0 .LBB2_2-.Ltmp0, $4  }
0x230: {  	s26 =	simm.s32 $0x6000;
	s9 =	sadd.s32 $0x3000, s9  }
0x231: {  	[tilespmem:s21], [sflag:$0x3] =	stream.indirect_vreg.gather [hbm4b:s3+s2], $0x80, v4, vm0, $0xb8;
	[tilespmem:$0x1E000] =	vst v63  }
0x232: {  	s14 =	simm.s32 $0xE000;
	s15 =	simm.s32 $0x16000;
	s8 =	sadd.s32 $0x180, s8  }
0x233: {  	[tilespmem:s23], [sflag:$0x3] =	stream.indirect_vreg.gather [hbm4b:s3+s2], $0x80, v3, vm0, $0xb8;
	[tilespmem:$0x1E000] =	vst v63  }
0x234: {  	_ =	swait.ge [sflag:s1], $0x8000  }
0x235: {  	[sflag:s1] =	ssyncset.done $0x0  }
0x236: {  	s8 =	rddreg [dreg:$0x4];
	[sflag:s1] =	ssyncadd.s32 $0xFFFF8000  }
0x237: {  	[hbm4b:s8+s2] =	stream.linear.scatter [tilespmem:s26], [sflag:$0x4], $0x8000, $0x38;
	[tilespmem:$0x1E000] =	vst v63  }
0x238: {  	_ =	swait.ge [sflag:s0], $0x8000  }
0x239: {  	[sflag:s0] =	ssyncset.done $0x0  }
0x23a: {  	s23 =	rddreg [dreg:$0x5];
	[sflag:s0] =	ssyncadd.s32 $0xFFFF8000  }
0x23b: {  	[hbm4b:s23+s2] =	stream.linear.scatter [tilespmem:s14], [sflag:$0x5], $0x8000, $0x38;
	[tilespmem:$0x1E000] =	vst v63  }
0x23c: {  	_ =	swait.ge [sflag:s4], $0x8000  }
0x23d: {  	[sflag:s4] =	ssyncset.done $0x0  }
0x23e: {  	s24 =	rddreg [dreg:$0x6];
	[sflag:s4] =	ssyncadd.s32 $0xFFFF8000  }
0x23f: {  	[hbm4b:s24+s2] =	stream.linear.scatter [tilespmem:s15], [sflag:$0x6], $0x8000, $0x38;
	[tilespmem:$0x1E000] =	vst v63  }
0x240: {  	_ =	swait.ge [sflag:s5], $0x8000  }
0x241: {  	[sflag:s5] =	ssyncset.done $0x0  }
0x242: {  	[sflag:s5] =	ssyncadd.s32 $0xFFFF8000  }
0x243: {  	_ =	swait.ge [sflag:s6], $0x8000  }
0x244: {  	[sflag:s6] =	ssyncset.done $0x0  }
0x245: {  	[sflag:s6] =	ssyncadd.s32 $0xFFFF8000  }
0x246: {  	s13 =	simm.s32 $0x8000;
	_ =	swait.ge [sflag:s7], $0x8000  }
0x247: {  	s10 =	simm.s32 $0x8800;
	s16 =	simm.s32 $0x9000;
	s9 =	rddreg [dreg:$0x8]  }
0x248: {  	s17 =	simm.s32 $0x9800;
	s25 =	rddreg [dreg:$0x7];
	s9 =	sadd.s32 $0x1, s9  }
0x249: {  	s18 =	simm.s32 $0xA000;
	s19 =	simm.s32 $0xA800;
	p0 =	sne.s32 s9, s25  }
.Ltmp1:
0x24a: {  	s20 =	simm.s32 $0xB000;
	s21 =	simm.s32 $0xB800;
	(pc) =	sbr.rel @p0 .LBB2_1-.Ltmp1, $4  }
0x24b: {  	s22 =	simm.s32 $0xC000;
	s28 =	simm.s32 $0xE800;
	s29 =	simm.s32 $0xF000  }
0x24c: {  	s30 =	simm.s32 $0xF800;
	s31 =	simm.s32 $0x10800;
	[sflag:s7] =	ssyncset.done $0x0  }
0x24d: {  	s23 =	simm.s32 $0xC800;
	s24 =	simm.s32 $0xD000;
	[sflag:s7] =	ssyncadd.s32 $0xFFFF8000  }
0x24e: {  	[dreg:$0x8] =	wrdreg s9;
	s9 =	simm.s32 $0x7800;
	s25 =	simm.s32 $0xD800  }
0x24f: {  	_ =	sfence.sel $0x180000  }
0x250: {  	[bflag:$0x0] =	sbarrier.arrive $0xFFFF  }
0x251: {  	_ =	strace $0x90000047  }
0x252: {  	s0 =	stileid.u32;
	[bflag:$0x2] =	sbarrier.arrive $0xFFFF  }
0x253: {  	p0 =	sne.s32 s0, $0x0;
	s0 =	rddreg [dreg:$0x1]  }
0x254: {  	s0 =	sadd.s32 @!p0 $0x100000, s0  }
0x255: {  	[sflag:s0] =	ssyncadd.tile.s32 @!p0 $0x1;
	_ =	shalt  }
.Lfunc_end2:
_tile_overlayer_lowered:
.L_overlay_start_2:
0x256: {  	(tag) =	ssettag $0x2  }
0x257: {  	s0 =	rddreg [dreg:$0x0];
	s2 =	stileid.u32  }
0x258: {  	s1 =	rddreg [dreg:$0x1];
	p0 =	sne.s32 s2, $0x0  }
0x259: {  	s3 =	rddreg [dreg:$0x2];
	[bflag:$0x3] =	sbarrier.arrive $0xFFFF;
	s2 =	simm.s32 @!p0 $0x1C07  }
0x25a: {  	[timem:s3], [sflag:s2] =	dma.local @!p0 [hbm:s0], s1  }
0x25b: {  	s0 =	simm.s32 @!p0 $0x7  }
0x25c: {  	_ =	swait.ge @!p0 [sflag:s0], s1  }
0x25d: {  	s1 =	ssub.s32 @!p0 $0x0, s1;
	[sflag:s0] =	ssyncset.done @!p0 $0x0  }
0x25e: {  	[sflag:s0] =	ssyncadd.s32 @!p0 s1  }
0x25f: {  	[bflag:$0x3] =	sbarrier.arrive $0xFFFF  }
0x260: {  	_ =	shalt  }

</sc_bundles>
